<compile_context>
chip_gen: v7x
topology: tpu7x:2x2x1
jax: 0.10.2.dev20260603
libtpu: 0.0.44.dev20260713+nightly
codegen_flags: <defaults>
</compile_context>

<pallas_src>
import functools

import jax
import jax.numpy as jnp
from jax import lax
from jax.experimental import pallas as pl
from jax.experimental.pallas import tpu as pltpu
from jax.experimental.pallas import tpu_sc as plsc

N = 4
L = 2048
D = 1024
DH = D // 4
KEEP = L // 2
ROWS = N * L
KROWS = N * KEEP

RC = 512

SC_NC = 2
SC_NS = 16
SC_NW = SC_NC * SC_NS
B_PER_W = KROWS // SC_NW
GCHUNK = 32


def _rank_body(p_ref, out_ref):
    p_row = p_ref[0]
    j_row = lax.broadcasted_iota(jnp.int32, (1, L), 1)
    r_row = lax.broadcasted_iota(jnp.int32, (1, KEEP), 1)
    acc = jnp.zeros((1, KEEP), jnp.int32)
    for c in range(L // RC):
        p_i = p_row[:, c * RC:(c + 1) * RC].reshape(RC, 1)
        i_col = c * RC + lax.broadcasted_iota(jnp.int32, (RC, 1), 0)
        beats = (p_i > p_row) | ((p_i == p_row) & (i_col < j_row))
        nbeat = jnp.sum(beats.astype(jnp.int32), axis=1, keepdims=True)
        rk = (L - 1) - nbeat
        acc = acc + jnp.sum(jnp.where(rk == r_row, i_col, 0), axis=0, keepdims=True)
    out_ref[0] = acc + pl.program_id(0) * L


def _keep_ids(p):
    return pl.pallas_call(
        _rank_body,
        grid=(N,),
        in_specs=[
            pl.BlockSpec((1, 1, L), lambda n: (n, 0, 0)),
        ],
        out_specs=pl.BlockSpec((1, 1, KEEP), lambda n: (n, 0, 0)),
        out_shape=jax.ShapeDtypeStruct((N, 1, KEEP), jnp.int32),
    )(p.reshape(N, 1, L))


def _gather_sc_body(gids, xt, pt, xo, po, idx_v, buf0, buf1, buf2, sem0, sem1, sem2):
    wid = lax.axis_index("s") * SC_NC + lax.axis_index("c")
    base = wid * B_PER_W
    pltpu.sync_copy(gids.at[pl.ds(base, B_PER_W)], idx_v)
    bufs, sems = (buf0, buf1, buf2), (sem0, sem1, sem2)
    ncp = B_PER_W // GCHUNK
    nch = 2 * ncp

    def start(c):
        t, k = divmod(c, ncp)
        src = (xt, pt)[t]
        return pltpu.async_copy(
            src.at[idx_v.at[pl.ds(k * GCHUNK, GCHUNK)]], bufs[c % 3], sems[c % 3])

    cps = {c: start(c) for c in range(min(2, nch))}
    for c in range(nch):
        if c + 2 < nch:
            cps[c + 2] = start(c + 2)
        t, k = divmod(c, ncp)
        dst = (xo, po)[t]
        cps[c].wait()
        pltpu.sync_copy(bufs[c % 3], dst.at[pl.ds(base + k * GCHUNK, GCHUNK)])


@functools.cache
def _gather_sc():
    return functools.partial(
        pl.kernel,
        mesh=plsc.VectorSubcoreMesh(
            core_axis_name="c", subcore_axis_name="s", num_cores=SC_NC
        ),
        out_type=[
            jax.ShapeDtypeStruct((KROWS, D), jnp.float32),
            jax.ShapeDtypeStruct((KROWS, D), jnp.float32),
        ],
        scratch_types=[
            pltpu.VMEM((B_PER_W,), jnp.int32),
            pltpu.VMEM((GCHUNK, D), jnp.float32),
            pltpu.VMEM((GCHUNK, D), jnp.float32),
            pltpu.VMEM((GCHUNK, D), jnp.float32),
            pltpu.SemaphoreType.DMA,
            pltpu.SemaphoreType.DMA,
            pltpu.SemaphoreType.DMA,
        ],
    )(_gather_sc_body)


def kernel(x, pos, W0, b0, W1, b1, W3, b3):
    xf = x.reshape(ROWS, D)
    pf = pos.reshape(ROWS, D)
    h = jax.nn.gelu(x @ W0 + b0, approximate=False)
    h = jax.nn.gelu(h @ W1 + b1, approximate=False)
    s = (h @ W3 + b3)[..., 0]
    p = jax.nn.softmax(s, axis=-1)
    gids = _keep_ids(p).reshape(KROWS)
    x_sel, pos_sel = _gather_sc()(gids, xf, pf)
    return x_sel.reshape(N, KEEP, D), pos_sel.reshape(N, KEEP, D)

# --- scband reference (transcript-rebuilt; emitter-appended) ---
"""Pipeline reference for scband-model-16527034155660 (READ-ONLY COPY).

The authoritative reference and input builder live on the scoring server;
editing this copy changes nothing except your own understanding.
"""

import jax, jax.numpy as jnp
import numpy as np

N = 4
L = 2048
D = 1024
RATIO = 0.5


def setup_inputs(seed: int = 0) -> dict:
    key = jax.random.key(seed)
    ks = jax.random.split(key, 8)
    return {
        "x": jax.random.normal(ks[0], (N, L, D), dtype=jnp.float32),
        "pos": jax.random.normal(ks[1], (N, L, D), dtype=jnp.float32),
        "W0": jax.random.normal(ks[2], (D, D), dtype=jnp.float32) * 0.02,
        "b0": jnp.zeros((D,), dtype=jnp.float32),
        "W1": jax.random.normal(ks[3], (D, D // 4), dtype=jnp.float32) * 0.02,
        "b1": jnp.zeros((D // 4,), dtype=jnp.float32),
        "W3": jax.random.normal(ks[4], (D // 4, 1), dtype=jnp.float32) * 0.02,
        "b3": jnp.zeros((1,), dtype=jnp.float32),
    }


def reference(x, pos, W0, b0, W1, b1, W3, b3):
    # MLP_Purification.forward with pure_ways='atten' (the deterministic top-k path)
    len_keep = int(L * RATIO)
    h = jax.nn.gelu(x @ W0 + b0, approximate=False)
    h = jax.nn.gelu(h @ W1 + b1, approximate=False)
    s = (h @ W3 + b3)[..., 0]            # [N, L]
    s = jax.nn.softmax(s, axis=-1)
    # argsort descending -> keep top len_keep token indices
    ids_sorted = jnp.argsort(-s, axis=1)
    ids_keep = ids_sorted[:, :len_keep]   # [N, len_keep]
    x_sel = jnp.take_along_axis(x, ids_keep[:, :, None], axis=1)
    pos_sel = jnp.take_along_axis(pos, ids_keep[:, :, None], axis=1)
    return (x_sel, pos_sel)

if __name__ == "__main__":
    import jax
    _d = setup_inputs()
    print(jax.jit(kernel)(*tuple(_d.values())))

</pallas_src>

<mosaic_0001>
#map = affine_map<(d0, d1) -> (0)>
#map1 = affine_map<(d0, d1) -> (0, 0)>
module attributes {stable_mosaic.version = 14 : i64} {
  func.func @_gather_sc_body(%arg0: i32, %arg1: i32, %arg2: memref<4096xi32, #tpu.memory_space<hbm>>, %arg3: memref<8192x1024xf32, #tpu.memory_space<hbm>>, %arg4: memref<8192x1024xf32, #tpu.memory_space<hbm>>, %arg5: memref<4096x1024xf32, #tpu.memory_space<hbm>>, %arg6: memref<4096x1024xf32, #tpu.memory_space<hbm>>, %arg7: memref<128xi32, #tpu.memory_space<vmem>>, %arg8: memref<32x1024xf32, #tpu.memory_space<vmem>>, %arg9: memref<32x1024xf32, #tpu.memory_space<vmem>>, %arg10: memref<32x1024xf32, #tpu.memory_space<vmem>>, %arg11: memref<!tpu.dma_semaphore, #tpu.memory_space<semaphore_mem>>, %arg12: memref<!tpu.dma_semaphore, #tpu.memory_space<semaphore_mem>>, %arg13: memref<!tpu.dma_semaphore, #tpu.memory_space<semaphore_mem>>) attributes {dimension_semantics = [#tpu.dimension_semantics<core_parallel>, #tpu.dimension_semantics<subcore_parallel>], iteration_bounds = array<i64: 2, 16>, scalar_prefetch = 0 : i64, scratch_operands = 7 : i64, tpu.core_type = #tpu.core_type<sc_vector_subcore>, window_params = [{transform_indices = #map}, {transform_indices = #map1}, {transform_indices = #map1}, {transform_indices = #map1}, {transform_indices = #map1}]} {
    %mul3A = arith.constant 2 : i32
    %mul3A_0 = arith.muli %arg1, %mul3A : i32
    %add3A = arith.addi %mul3A_0, %arg0 : i32
    %mul3A_1 = arith.constant 128 : i32
    %mul3A_2 = arith.muli %add3A, %mul3A_1 : i32
    "tpu.region"() ({
      %run_scoped3A = tpu.sem_alloc : memref<!tpu.dma_semaphore, #tpu.memory_space<semaphore_mem>>
      %dma_start3A_97 = tpu.memref_slice %arg2[%mul3A_2] : memref<4096xi32, #tpu.memory_space<hbm>> -> memref<128xi32, #tpu.memory_space<hbm>>
      %dma_start3A_98 = tpu.memref_slice %arg2[%mul3A_2] : memref<4096xi32, #tpu.memory_space<hbm>> -> memref<128xi32, #tpu.memory_space<hbm>>
      tpu.enqueue_dma source(%dma_start3A_98 : memref<128xi32, #tpu.memory_space<hbm>>) target(%arg7 : memref<128xi32, #tpu.memory_space<vmem>>) target_semaphore(%run_scoped3A : memref<!tpu.dma_semaphore, #tpu.memory_space<semaphore_mem>>)
      %dma_wait3A_99 = tpu.memref_slice %arg2[%mul3A_2] : memref<4096xi32, #tpu.memory_space<hbm>> -> memref<128xi32, #tpu.memory_space<hbm>>
      %dma_wait3A_100 = tpu.memref_slice %arg2[%mul3A_2] : memref<4096xi32, #tpu.memory_space<hbm>> -> memref<128xi32, #tpu.memory_space<hbm>>
      tpu.wait_dma2 semaphore(%run_scoped3A : memref<!tpu.dma_semaphore, #tpu.memory_space<semaphore_mem>>) src(%dma_wait3A_100 : memref<128xi32, #tpu.memory_space<hbm>>) dst(%arg7 : memref<128xi32, #tpu.memory_space<vmem>>)
      tpu.yield
    }) : () -> ()
    %dma_start3A = arith.constant 0 : i32
    %dma_start3A_3 = tpu.memref_slice %arg7[%dma_start3A] : memref<128xi32, #tpu.memory_space<vmem>> -> memref<32xi32, #tpu.memory_space<vmem>>
    %dma_start3A_4 = arith.constant 0 : i32
    %dma_start3A_5 = arith.constant 0 : i32
    %dma_start3A_6 = tpu.memref_slice %arg3[%dma_start3A_4, %dma_start3A_5] : memref<8192x1024xf32, #tpu.memory_space<hbm>> -> memref<8192x1024xf32, #tpu.memory_space<hbm>>
    tpu.enqueue_indirect_dma source(%dma_start3A_6 : memref<8192x1024xf32, #tpu.memory_space<hbm>>) target(%arg8 : memref<32x1024xf32, #tpu.memory_space<vmem>>) offsets(%dma_start3A_3 : memref<32xi32, #tpu.memory_space<vmem>>) semaphore(%arg11 : memref<!tpu.dma_semaphore, #tpu.memory_space<semaphore_mem>>)
    %dma_start3A_7 = arith.constant 32 : i32
    %dma_start3A_8 = tpu.memref_slice %arg7[%dma_start3A_7] : memref<128xi32, #tpu.memory_space<vmem>> -> memref<32xi32, #tpu.memory_space<vmem>>
    %dma_start3A_9 = arith.constant 0 : i32
    %dma_start3A_10 = arith.constant 0 : i32
    %dma_start3A_11 = tpu.memref_slice %arg3[%dma_start3A_9, %dma_start3A_10] : memref<8192x1024xf32, #tpu.memory_space<hbm>> -> memref<8192x1024xf32, #tpu.memory_space<hbm>>
    tpu.enqueue_indirect_dma source(%dma_start3A_11 : memref<8192x1024xf32, #tpu.memory_space<hbm>>) target(%arg9 : memref<32x1024xf32, #tpu.memory_space<vmem>>) offsets(%dma_start3A_8 : memref<32xi32, #tpu.memory_space<vmem>>) semaphore(%arg12 : memref<!tpu.dma_semaphore, #tpu.memory_space<semaphore_mem>>)
    %dma_start3A_12 = arith.constant 64 : i32
    %dma_start3A_13 = tpu.memref_slice %arg7[%dma_start3A_12] : memref<128xi32, #tpu.memory_space<vmem>> -> memref<32xi32, #tpu.memory_space<vmem>>
    %dma_start3A_14 = arith.constant 0 : i32
    %dma_start3A_15 = arith.constant 0 : i32
    %dma_start3A_16 = tpu.memref_slice %arg3[%dma_start3A_14, %dma_start3A_15] : memref<8192x1024xf32, #tpu.memory_space<hbm>> -> memref<8192x1024xf32, #tpu.memory_space<hbm>>
    tpu.enqueue_indirect_dma source(%dma_start3A_16 : memref<8192x1024xf32, #tpu.memory_space<hbm>>) target(%arg10 : memref<32x1024xf32, #tpu.memory_space<vmem>>) offsets(%dma_start3A_13 : memref<32xi32, #tpu.memory_space<vmem>>) semaphore(%arg13 : memref<!tpu.dma_semaphore, #tpu.memory_space<semaphore_mem>>)
    %dma_wait3A = arith.constant 0 : i32
    %dma_wait3A_17 = tpu.memref_slice %arg7[%dma_wait3A] : memref<128xi32, #tpu.memory_space<vmem>> -> memref<32xi32, #tpu.memory_space<vmem>>
    %dma_wait3A_18 = arith.constant 0 : i32
    %dma_wait3A_19 = arith.constant 0 : i32
    %dma_wait3A_20 = tpu.memref_slice %arg3[%dma_wait3A_18, %dma_wait3A_19] : memref<8192x1024xf32, #tpu.memory_space<hbm>> -> memref<8192x1024xf32, #tpu.memory_space<hbm>>
    tpu.wait_indirect_dma semaphore(%arg11 : memref<!tpu.dma_semaphore, #tpu.memory_space<semaphore_mem>>) src(%dma_wait3A_20 : memref<8192x1024xf32, #tpu.memory_space<hbm>>) dst(%arg8 : memref<32x1024xf32, #tpu.memory_space<vmem>>)
    %add3A_21 = arith.constant 0 : i32
    %add3A_22 = arith.addi %mul3A_2, %add3A_21 : i32
    "tpu.region"() ({
      %run_scoped3A = tpu.sem_alloc : memref<!tpu.dma_semaphore, #tpu.memory_space<semaphore_mem>>
      %dma_start3A_97 = arith.constant 0 : i32
      %dma_start3A_98 = tpu.memref_slice %arg5[%add3A_22, %dma_start3A_97] : memref<4096x1024xf32, #tpu.memory_space<hbm>> -> memref<32x1024xf32, #tpu.memory_space<hbm>>
      %dma_start3A_99 = arith.constant 0 : i32
      %dma_start3A_100 = tpu.memref_slice %arg5[%add3A_22, %dma_start3A_99] : memref<4096x1024xf32, #tpu.memory_space<hbm>> -> memref<32x1024xf32, #tpu.memory_space<hbm>>
      tpu.enqueue_dma source(%arg8 : memref<32x1024xf32, #tpu.memory_space<vmem>>) target(%dma_start3A_100 : memref<32x1024xf32, #tpu.memory_space<hbm>>) target_semaphore(%run_scoped3A : memref<!tpu.dma_semaphore, #tpu.memory_space<semaphore_mem>>)
      %dma_wait3A_101 = arith.constant 0 : i32
      %dma_wait3A_102 = tpu.memref_slice %arg5[%add3A_22, %dma_wait3A_101] : memref<4096x1024xf32, #tpu.memory_space<hbm>> -> memref<32x1024xf32, #tpu.memory_space<hbm>>
      %dma_wait3A_103 = arith.constant 0 : i32
      %dma_wait3A_104 = tpu.memref_slice %arg5[%add3A_22, %dma_wait3A_103] : memref<4096x1024xf32, #tpu.memory_space<hbm>> -> memref<32x1024xf32, #tpu.memory_space<hbm>>
      tpu.wait_dma2 semaphore(%run_scoped3A : memref<!tpu.dma_semaphore, #tpu.memory_space<semaphore_mem>>) src(%arg8 : memref<32x1024xf32, #tpu.memory_space<vmem>>) dst(%dma_wait3A_104 : memref<32x1024xf32, #tpu.memory_space<hbm>>)
      tpu.yield
    }) : () -> ()
    %dma_start3A_23 = arith.constant 96 : i32
    %dma_start3A_24 = tpu.memref_slice %arg7[%dma_start3A_23] : memref<128xi32, #tpu.memory_space<vmem>> -> memref<32xi32, #tpu.memory_space<vmem>>
    %dma_start3A_25 = arith.constant 0 : i32
    %dma_start3A_26 = arith.constant 0 : i32
    %dma_start3A_27 = tpu.memref_slice %arg3[%dma_start3A_25, %dma_start3A_26] : memref<8192x1024xf32, #tpu.memory_space<hbm>> -> memref<8192x1024xf32, #tpu.memory_space<hbm>>
    tpu.enqueue_indirect_dma source(%dma_start3A_27 : memref<8192x1024xf32, #tpu.memory_space<hbm>>) target(%arg8 : memref<32x1024xf32, #tpu.memory_space<vmem>>) offsets(%dma_start3A_24 : memref<32xi32, #tpu.memory_space<vmem>>) semaphore(%arg11 : memref<!tpu.dma_semaphore, #tpu.memory_space<semaphore_mem>>)
    %dma_wait3A_28 = arith.constant 32 : i32
    %dma_wait3A_29 = tpu.memref_slice %arg7[%dma_wait3A_28] : memref<128xi32, #tpu.memory_space<vmem>> -> memref<32xi32, #tpu.memory_space<vmem>>
    %dma_wait3A_30 = arith.constant 0 : i32
    %dma_wait3A_31 = arith.constant 0 : i32
    %dma_wait3A_32 = tpu.memref_slice %arg3[%dma_wait3A_30, %dma_wait3A_31] : memref<8192x1024xf32, #tpu.memory_space<hbm>> -> memref<8192x1024xf32, #tpu.memory_space<hbm>>
    tpu.wait_indirect_dma semaphore(%arg12 : memref<!tpu.dma_semaphore, #tpu.memory_space<semaphore_mem>>) src(%dma_wait3A_32 : memref<8192x1024xf32, #tpu.memory_space<hbm>>) dst(%arg9 : memref<32x1024xf32, #tpu.memory_space<vmem>>)
    %add3A_33 = arith.constant 32 : i32
    %add3A_34 = arith.addi %mul3A_2, %add3A_33 : i32
    "tpu.region"() ({
      %run_scoped3A = tpu.sem_alloc : memref<!tpu.dma_semaphore, #tpu.memory_space<semaphore_mem>>
      %dma_start3A_97 = arith.constant 0 : i32
      %dma_start3A_98 = tpu.memref_slice %arg5[%add3A_34, %dma_start3A_97] : memref<4096x1024xf32, #tpu.memory_space<hbm>> -> memref<32x1024xf32, #tpu.memory_space<hbm>>
      %dma_start3A_99 = arith.constant 0 : i32
      %dma_start3A_100 = tpu.memref_slice %arg5[%add3A_34, %dma_start3A_99] : memref<4096x1024xf32, #tpu.memory_space<hbm>> -> memref<32x1024xf32, #tpu.memory_space<hbm>>
      tpu.enqueue_dma source(%arg9 : memref<32x1024xf32, #tpu.memory_space<vmem>>) target(%dma_start3A_100 : memref<32x1024xf32, #tpu.memory_space<hbm>>) target_semaphore(%run_scoped3A : memref<!tpu.dma_semaphore, #tpu.memory_space<semaphore_mem>>)
      %dma_wait3A_101 = arith.constant 0 : i32
      %dma_wait3A_102 = tpu.memref_slice %arg5[%add3A_34, %dma_wait3A_101] : memref<4096x1024xf32, #tpu.memory_space<hbm>> -> memref<32x1024xf32, #tpu.memory_space<hbm>>
      %dma_wait3A_103 = arith.constant 0 : i32
      %dma_wait3A_104 = tpu.memref_slice %arg5[%add3A_34, %dma_wait3A_103] : memref<4096x1024xf32, #tpu.memory_space<hbm>> -> memref<32x1024xf32, #tpu.memory_space<hbm>>
      tpu.wait_dma2 semaphore(%run_scoped3A : memref<!tpu.dma_semaphore, #tpu.memory_space<semaphore_mem>>) src(%arg9 : memref<32x1024xf32, #tpu.memory_space<vmem>>) dst(%dma_wait3A_104 : memref<32x1024xf32, #tpu.memory_space<hbm>>)
      tpu.yield
    }) : () -> ()
    %dma_start3A_35 = arith.constant 0 : i32
    %dma_start3A_36 = tpu.memref_slice %arg7[%dma_start3A_35] : memref<128xi32, #tpu.memory_space<vmem>> -> memref<32xi32, #tpu.memory_space<vmem>>
    %dma_start3A_37 = arith.constant 0 : i32
    %dma_start3A_38 = arith.constant 0 : i32
    %dma_start3A_39 = tpu.memref_slice %arg4[%dma_start3A_37, %dma_start3A_38] : memref<8192x1024xf32, #tpu.memory_space<hbm>> -> memref<8192x1024xf32, #tpu.memory_space<hbm>>
    tpu.enqueue_indirect_dma source(%dma_start3A_39 : memref<8192x1024xf32, #tpu.memory_space<hbm>>) target(%arg9 : memref<32x1024xf32, #tpu.memory_space<vmem>>) offsets(%dma_start3A_36 : memref<32xi32, #tpu.memory_space<vmem>>) semaphore(%arg12 : memref<!tpu.dma_semaphore, #tpu.memory_space<semaphore_mem>>)
    %dma_wait3A_40 = arith.constant 64 : i32
    %dma_wait3A_41 = tpu.memref_slice %arg7[%dma_wait3A_40] : memref<128xi32, #tpu.memory_space<vmem>> -> memref<32xi32, #tpu.memory_space<vmem>>
    %dma_wait3A_42 = arith.constant 0 : i32
    %dma_wait3A_43 = arith.constant 0 : i32
    %dma_wait3A_44 = tpu.memref_slice %arg3[%dma_wait3A_42, %dma_wait3A_43] : memref<8192x1024xf32, #tpu.memory_space<hbm>> -> memref<8192x1024xf32, #tpu.memory_space<hbm>>
    tpu.wait_indirect_dma semaphore(%arg13 : memref<!tpu.dma_semaphore, #tpu.memory_space<semaphore_mem>>) src(%dma_wait3A_44 : memref<8192x1024xf32, #tpu.memory_space<hbm>>) dst(%arg10 : memref<32x1024xf32, #tpu.memory_space<vmem>>)
    %add3A_45 = arith.constant 64 : i32
    %add3A_46 = arith.addi %mul3A_2, %add3A_45 : i32
    "tpu.region"() ({
      %run_scoped3A = tpu.sem_alloc : memref<!tpu.dma_semaphore, #tpu.memory_space<semaphore_mem>>
      %dma_start3A_97 = arith.constant 0 : i32
      %dma_start3A_98 = tpu.memref_slice %arg5[%add3A_46, %dma_start3A_97] : memref<4096x1024xf32, #tpu.memory_space<hbm>> -> memref<32x1024xf32, #tpu.memory_space<hbm>>
      %dma_start3A_99 = arith.constant 0 : i32
      %dma_start3A_100 = tpu.memref_slice %arg5[%add3A_46, %dma_start3A_99] : memref<4096x1024xf32, #tpu.memory_space<hbm>> -> memref<32x1024xf32, #tpu.memory_space<hbm>>
      tpu.enqueue_dma source(%arg10 : memref<32x1024xf32, #tpu.memory_space<vmem>>) target(%dma_start3A_100 : memref<32x1024xf32, #tpu.memory_space<hbm>>) target_semaphore(%run_scoped3A : memref<!tpu.dma_semaphore, #tpu.memory_space<semaphore_mem>>)
      %dma_wait3A_101 = arith.constant 0 : i32
      %dma_wait3A_102 = tpu.memref_slice %arg5[%add3A_46, %dma_wait3A_101] : memref<4096x1024xf32, #tpu.memory_space<hbm>> -> memref<32x1024xf32, #tpu.memory_space<hbm>>
      %dma_wait3A_103 = arith.constant 0 : i32
      %dma_wait3A_104 = tpu.memref_slice %arg5[%add3A_46, %dma_wait3A_103] : memref<4096x1024xf32, #tpu.memory_space<hbm>> -> memref<32x1024xf32, #tpu.memory_space<hbm>>
      tpu.wait_dma2 semaphore(%run_scoped3A : memref<!tpu.dma_semaphore, #tpu.memory_space<semaphore_mem>>) src(%arg10 : memref<32x1024xf32, #tpu.memory_space<vmem>>) dst(%dma_wait3A_104 : memref<32x1024xf32, #tpu.memory_space<hbm>>)
      tpu.yield
    }) : () -> ()
    %dma_start3A_47 = arith.constant 32 : i32
    %dma_start3A_48 = tpu.memref_slice %arg7[%dma_start3A_47] : memref<128xi32, #tpu.memory_space<vmem>> -> memref<32xi32, #tpu.memory_space<vmem>>
    %dma_start3A_49 = arith.constant 0 : i32
    %dma_start3A_50 = arith.constant 0 : i32
    %dma_start3A_51 = tpu.memref_slice %arg4[%dma_start3A_49, %dma_start3A_50] : memref<8192x1024xf32, #tpu.memory_space<hbm>> -> memref<8192x1024xf32, #tpu.memory_space<hbm>>
    tpu.enqueue_indirect_dma source(%dma_start3A_51 : memref<8192x1024xf32, #tpu.memory_space<hbm>>) target(%arg10 : memref<32x1024xf32, #tpu.memory_space<vmem>>) offsets(%dma_start3A_48 : memref<32xi32, #tpu.memory_space<vmem>>) semaphore(%arg13 : memref<!tpu.dma_semaphore, #tpu.memory_space<semaphore_mem>>)
    %dma_wait3A_52 = arith.constant 96 : i32
    %dma_wait3A_53 = tpu.memref_slice %arg7[%dma_wait3A_52] : memref<128xi32, #tpu.memory_space<vmem>> -> memref<32xi32, #tpu.memory_space<vmem>>
    %dma_wait3A_54 = arith.constant 0 : i32
    %dma_wait3A_55 = arith.constant 0 : i32
    %dma_wait3A_56 = tpu.memref_slice %arg3[%dma_wait3A_54, %dma_wait3A_55] : memref<8192x1024xf32, #tpu.memory_space<hbm>> -> memref<8192x1024xf32, #tpu.memory_space<hbm>>
    tpu.wait_indirect_dma semaphore(%arg11 : memref<!tpu.dma_semaphore, #tpu.memory_space<semaphore_mem>>) src(%dma_wait3A_56 : memref<8192x1024xf32, #tpu.memory_space<hbm>>) dst(%arg8 : memref<32x1024xf32, #tpu.memory_space<vmem>>)
    %add3A_57 = arith.constant 96 : i32
    %add3A_58 = arith.addi %mul3A_2, %add3A_57 : i32
    "tpu.region"() ({
      %run_scoped3A = tpu.sem_alloc : memref<!tpu.dma_semaphore, #tpu.memory_space<semaphore_mem>>
      %dma_start3A_97 = arith.constant 0 : i32
      %dma_start3A_98 = tpu.memref_slice %arg5[%add3A_58, %dma_start3A_97] : memref<4096x1024xf32, #tpu.memory_space<hbm>> -> memref<32x1024xf32, #tpu.memory_space<hbm>>
      %dma_start3A_99 = arith.constant 0 : i32
      %dma_start3A_100 = tpu.memref_slice %arg5[%add3A_58, %dma_start3A_99] : memref<4096x1024xf32, #tpu.memory_space<hbm>> -> memref<32x1024xf32, #tpu.memory_space<hbm>>
      tpu.enqueue_dma source(%arg8 : memref<32x1024xf32, #tpu.memory_space<vmem>>) target(%dma_start3A_100 : memref<32x1024xf32, #tpu.memory_space<hbm>>) target_semaphore(%run_scoped3A : memref<!tpu.dma_semaphore, #tpu.memory_space<semaphore_mem>>)
      %dma_wait3A_101 = arith.constant 0 : i32
      %dma_wait3A_102 = tpu.memref_slice %arg5[%add3A_58, %dma_wait3A_101] : memref<4096x1024xf32, #tpu.memory_space<hbm>> -> memref<32x1024xf32, #tpu.memory_space<hbm>>
      %dma_wait3A_103 = arith.constant 0 : i32
      %dma_wait3A_104 = tpu.memref_slice %arg5[%add3A_58, %dma_wait3A_103] : memref<4096x1024xf32, #tpu.memory_space<hbm>> -> memref<32x1024xf32, #tpu.memory_space<hbm>>
      tpu.wait_dma2 semaphore(%run_scoped3A : memref<!tpu.dma_semaphore, #tpu.memory_space<semaphore_mem>>) src(%arg8 : memref<32x1024xf32, #tpu.memory_space<vmem>>) dst(%dma_wait3A_104 : memref<32x1024xf32, #tpu.memory_space<hbm>>)
      tpu.yield
    }) : () -> ()
    %dma_start3A_59 = arith.constant 64 : i32
    %dma_start3A_60 = tpu.memref_slice %arg7[%dma_start3A_59] : memref<128xi32, #tpu.memory_space<vmem>> -> memref<32xi32, #tpu.memory_space<vmem>>
    %dma_start3A_61 = arith.constant 0 : i32
    %dma_start3A_62 = arith.constant 0 : i32
    %dma_start3A_63 = tpu.memref_slice %arg4[%dma_start3A_61, %dma_start3A_62] : memref<8192x1024xf32, #tpu.memory_space<hbm>> -> memref<8192x1024xf32, #tpu.memory_space<hbm>>
    tpu.enqueue_indirect_dma source(%dma_start3A_63 : memref<8192x1024xf32, #tpu.memory_space<hbm>>) target(%arg8 : memref<32x1024xf32, #tpu.memory_space<vmem>>) offsets(%dma_start3A_60 : memref<32xi32, #tpu.memory_space<vmem>>) semaphore(%arg11 : memref<!tpu.dma_semaphore, #tpu.memory_space<semaphore_mem>>)
    %dma_wait3A_64 = arith.constant 0 : i32
    %dma_wait3A_65 = tpu.memref_slice %arg7[%dma_wait3A_64] : memref<128xi32, #tpu.memory_space<vmem>> -> memref<32xi32, #tpu.memory_space<vmem>>
    %dma_wait3A_66 = arith.constant 0 : i32
    %dma_wait3A_67 = arith.constant 0 : i32
    %dma_wait3A_68 = tpu.memref_slice %arg4[%dma_wait3A_66, %dma_wait3A_67] : memref<8192x1024xf32, #tpu.memory_space<hbm>> -> memref<8192x1024xf32, #tpu.memory_space<hbm>>
    tpu.wait_indirect_dma semaphore(%arg12 : memref<!tpu.dma_semaphore, #tpu.memory_space<semaphore_mem>>) src(%dma_wait3A_68 : memref<8192x1024xf32, #tpu.memory_space<hbm>>) dst(%arg9 : memref<32x1024xf32, #tpu.memory_space<vmem>>)
    %add3A_69 = arith.constant 0 : i32
    %add3A_70 = arith.addi %mul3A_2, %add3A_69 : i32
    "tpu.region"() ({
      %run_scoped3A = tpu.sem_alloc : memref<!tpu.dma_semaphore, #tpu.memory_space<semaphore_mem>>
      %dma_start3A_97 = arith.constant 0 : i32
      %dma_start3A_98 = tpu.memref_slice %arg6[%add3A_70, %dma_start3A_97] : memref<4096x1024xf32, #tpu.memory_space<hbm>> -> memref<32x1024xf32, #tpu.memory_space<hbm>>
      %dma_start3A_99 = arith.constant 0 : i32
      %dma_start3A_100 = tpu.memref_slice %arg6[%add3A_70, %dma_start3A_99] : memref<4096x1024xf32, #tpu.memory_space<hbm>> -> memref<32x1024xf32, #tpu.memory_space<hbm>>
      tpu.enqueue_dma source(%arg9 : memref<32x1024xf32, #tpu.memory_space<vmem>>) target(%dma_start3A_100 : memref<32x1024xf32, #tpu.memory_space<hbm>>) target_semaphore(%run_scoped3A : memref<!tpu.dma_semaphore, #tpu.memory_space<semaphore_mem>>)
      %dma_wait3A_101 = arith.constant 0 : i32
      %dma_wait3A_102 = tpu.memref_slice %arg6[%add3A_70, %dma_wait3A_101] : memref<4096x1024xf32, #tpu.memory_space<hbm>> -> memref<32x1024xf32, #tpu.memory_space<hbm>>
      %dma_wait3A_103 = arith.constant 0 : i32
      %dma_wait3A_104 = tpu.memref_slice %arg6[%add3A_70, %dma_wait3A_103] : memref<4096x1024xf32, #tpu.memory_space<hbm>> -> memref<32x1024xf32, #tpu.memory_space<hbm>>
      tpu.wait_dma2 semaphore(%run_scoped3A : memref<!tpu.dma_semaphore, #tpu.memory_space<semaphore_mem>>) src(%arg9 : memref<32x1024xf32, #tpu.memory_space<vmem>>) dst(%dma_wait3A_104 : memref<32x1024xf32, #tpu.memory_space<hbm>>)
      tpu.yield
    }) : () -> ()
    %dma_start3A_71 = arith.constant 96 : i32
    %dma_start3A_72 = tpu.memref_slice %arg7[%dma_start3A_71] : memref<128xi32, #tpu.memory_space<vmem>> -> memref<32xi32, #tpu.memory_space<vmem>>
    %dma_start3A_73 = arith.constant 0 : i32
    %dma_start3A_74 = arith.constant 0 : i32
    %dma_start3A_75 = tpu.memref_slice %arg4[%dma_start3A_73, %dma_start3A_74] : memref<8192x1024xf32, #tpu.memory_space<hbm>> -> memref<8192x1024xf32, #tpu.memory_space<hbm>>
    tpu.enqueue_indirect_dma source(%dma_start3A_75 : memref<8192x1024xf32, #tpu.memory_space<hbm>>) target(%arg9 : memref<32x1024xf32, #tpu.memory_space<vmem>>) offsets(%dma_start3A_72 : memref<32xi32, #tpu.memory_space<vmem>>) semaphore(%arg12 : memref<!tpu.dma_semaphore, #tpu.memory_space<semaphore_mem>>)
    %dma_wait3A_76 = arith.constant 32 : i32
    %dma_wait3A_77 = tpu.memref_slice %arg7[%dma_wait3A_76] : memref<128xi32, #tpu.memory_space<vmem>> -> memref<32xi32, #tpu.memory_space<vmem>>
    %dma_wait3A_78 = arith.constant 0 : i32
    %dma_wait3A_79 = arith.constant 0 : i32
    %dma_wait3A_80 = tpu.memref_slice %arg4[%dma_wait3A_78, %dma_wait3A_79] : memref<8192x1024xf32, #tpu.memory_space<hbm>> -> memref<8192x1024xf32, #tpu.memory_space<hbm>>
    tpu.wait_indirect_dma semaphore(%arg13 : memref<!tpu.dma_semaphore, #tpu.memory_space<semaphore_mem>>) src(%dma_wait3A_80 : memref<8192x1024xf32, #tpu.memory_space<hbm>>) dst(%arg10 : memref<32x1024xf32, #tpu.memory_space<vmem>>)
    %add3A_81 = arith.constant 32 : i32
    %add3A_82 = arith.addi %mul3A_2, %add3A_81 : i32
    "tpu.region"() ({
      %run_scoped3A = tpu.sem_alloc : memref<!tpu.dma_semaphore, #tpu.memory_space<semaphore_mem>>
      %dma_start3A_97 = arith.constant 0 : i32
      %dma_start3A_98 = tpu.memref_slice %arg6[%add3A_82, %dma_start3A_97] : memref<4096x1024xf32, #tpu.memory_space<hbm>> -> memref<32x1024xf32, #tpu.memory_space<hbm>>
      %dma_start3A_99 = arith.constant 0 : i32
      %dma_start3A_100 = tpu.memref_slice %arg6[%add3A_82, %dma_start3A_99] : memref<4096x1024xf32, #tpu.memory_space<hbm>> -> memref<32x1024xf32, #tpu.memory_space<hbm>>
      tpu.enqueue_dma source(%arg10 : memref<32x1024xf32, #tpu.memory_space<vmem>>) target(%dma_start3A_100 : memref<32x1024xf32, #tpu.memory_space<hbm>>) target_semaphore(%run_scoped3A : memref<!tpu.dma_semaphore, #tpu.memory_space<semaphore_mem>>)
      %dma_wait3A_101 = arith.constant 0 : i32
      %dma_wait3A_102 = tpu.memref_slice %arg6[%add3A_82, %dma_wait3A_101] : memref<4096x1024xf32, #tpu.memory_space<hbm>> -> memref<32x1024xf32, #tpu.memory_space<hbm>>
      %dma_wait3A_103 = arith.constant 0 : i32
      %dma_wait3A_104 = tpu.memref_slice %arg6[%add3A_82, %dma_wait3A_103] : memref<4096x1024xf32, #tpu.memory_space<hbm>> -> memref<32x1024xf32, #tpu.memory_space<hbm>>
      tpu.wait_dma2 semaphore(%run_scoped3A : memref<!tpu.dma_semaphore, #tpu.memory_space<semaphore_mem>>) src(%arg10 : memref<32x1024xf32, #tpu.memory_space<vmem>>) dst(%dma_wait3A_104 : memref<32x1024xf32, #tpu.memory_space<hbm>>)
      tpu.yield
    }) : () -> ()
    %dma_wait3A_83 = arith.constant 64 : i32
    %dma_wait3A_84 = tpu.memref_slice %arg7[%dma_wait3A_83] : memref<128xi32, #tpu.memory_space<vmem>> -> memref<32xi32, #tpu.memory_space<vmem>>
    %dma_wait3A_85 = arith.constant 0 : i32
    %dma_wait3A_86 = arith.constant 0 : i32
    %dma_wait3A_87 = tpu.memref_slice %arg4[%dma_wait3A_85, %dma_wait3A_86] : memref<8192x1024xf32, #tpu.memory_space<hbm>> -> memref<8192x1024xf32, #tpu.memory_space<hbm>>
    tpu.wait_indirect_dma semaphore(%arg11 : memref<!tpu.dma_semaphore, #tpu.memory_space<semaphore_mem>>) src(%dma_wait3A_87 : memref<8192x1024xf32, #tpu.memory_space<hbm>>) dst(%arg8 : memref<32x1024xf32, #tpu.memory_space<vmem>>)
    %add3A_88 = arith.constant 64 : i32
    %add3A_89 = arith.addi %mul3A_2, %add3A_88 : i32
    "tpu.region"() ({
      %run_scoped3A = tpu.sem_alloc : memref<!tpu.dma_semaphore, #tpu.memory_space<semaphore_mem>>
      %dma_start3A_97 = arith.constant 0 : i32
      %dma_start3A_98 = tpu.memref_slice %arg6[%add3A_89, %dma_start3A_97] : memref<4096x1024xf32, #tpu.memory_space<hbm>> -> memref<32x1024xf32, #tpu.memory_space<hbm>>
      %dma_start3A_99 = arith.constant 0 : i32
      %dma_start3A_100 = tpu.memref_slice %arg6[%add3A_89, %dma_start3A_99] : memref<4096x1024xf32, #tpu.memory_space<hbm>> -> memref<32x1024xf32, #tpu.memory_space<hbm>>
      tpu.enqueue_dma source(%arg8 : memref<32x1024xf32, #tpu.memory_space<vmem>>) target(%dma_start3A_100 : memref<32x1024xf32, #tpu.memory_space<hbm>>) target_semaphore(%run_scoped3A : memref<!tpu.dma_semaphore, #tpu.memory_space<semaphore_mem>>)
      %dma_wait3A_101 = arith.constant 0 : i32
      %dma_wait3A_102 = tpu.memref_slice %arg6[%add3A_89, %dma_wait3A_101] : memref<4096x1024xf32, #tpu.memory_space<hbm>> -> memref<32x1024xf32, #tpu.memory_space<hbm>>
      %dma_wait3A_103 = arith.constant 0 : i32
      %dma_wait3A_104 = tpu.memref_slice %arg6[%add3A_89, %dma_wait3A_103] : memref<4096x1024xf32, #tpu.memory_space<hbm>> -> memref<32x1024xf32, #tpu.memory_space<hbm>>
      tpu.wait_dma2 semaphore(%run_scoped3A : memref<!tpu.dma_semaphore, #tpu.memory_space<semaphore_mem>>) src(%arg8 : memref<32x1024xf32, #tpu.memory_space<vmem>>) dst(%dma_wait3A_104 : memref<32x1024xf32, #tpu.memory_space<hbm>>)
      tpu.yield
    }) : () -> ()
    %dma_wait3A_90 = arith.constant 96 : i32
    %dma_wait3A_91 = tpu.memref_slice %arg7[%dma_wait3A_90] : memref<128xi32, #tpu.memory_space<vmem>> -> memref<32xi32, #tpu.memory_space<vmem>>
    %dma_wait3A_92 = arith.constant 0 : i32
    %dma_wait3A_93 = arith.constant 0 : i32
    %dma_wait3A_94 = tpu.memref_slice %arg4[%dma_wait3A_92, %dma_wait3A_93] : memref<8192x1024xf32, #tpu.memory_space<hbm>> -> memref<8192x1024xf32, #tpu.memory_space<hbm>>
    tpu.wait_indirect_dma semaphore(%arg12 : memref<!tpu.dma_semaphore, #tpu.memory_space<semaphore_mem>>) src(%dma_wait3A_94 : memref<8192x1024xf32, #tpu.memory_space<hbm>>) dst(%arg9 : memref<32x1024xf32, #tpu.memory_space<vmem>>)
    %add3A_95 = arith.constant 96 : i32
    %add3A_96 = arith.addi %mul3A_2, %add3A_95 : i32
    "tpu.region"() ({
      %run_scoped3A = tpu.sem_alloc : memref<!tpu.dma_semaphore, #tpu.memory_space<semaphore_mem>>
      %dma_start3A_97 = arith.constant 0 : i32
      %dma_start3A_98 = tpu.memref_slice %arg6[%add3A_96, %dma_start3A_97] : memref<4096x1024xf32, #tpu.memory_space<hbm>> -> memref<32x1024xf32, #tpu.memory_space<hbm>>
      %dma_start3A_99 = arith.constant 0 : i32
      %dma_start3A_100 = tpu.memref_slice %arg6[%add3A_96, %dma_start3A_99] : memref<4096x1024xf32, #tpu.memory_space<hbm>> -> memref<32x1024xf32, #tpu.memory_space<hbm>>
      tpu.enqueue_dma source(%arg9 : memref<32x1024xf32, #tpu.memory_space<vmem>>) target(%dma_start3A_100 : memref<32x1024xf32, #tpu.memory_space<hbm>>) target_semaphore(%run_scoped3A : memref<!tpu.dma_semaphore, #tpu.memory_space<semaphore_mem>>)
      %dma_wait3A_101 = arith.constant 0 : i32
      %dma_wait3A_102 = tpu.memref_slice %arg6[%add3A_96, %dma_wait3A_101] : memref<4096x1024xf32, #tpu.memory_space<hbm>> -> memref<32x1024xf32, #tpu.memory_space<hbm>>
      %dma_wait3A_103 = arith.constant 0 : i32
      %dma_wait3A_104 = tpu.memref_slice %arg6[%add3A_96, %dma_wait3A_103] : memref<4096x1024xf32, #tpu.memory_space<hbm>> -> memref<32x1024xf32, #tpu.memory_space<hbm>>
      tpu.wait_dma2 semaphore(%run_scoped3A : memref<!tpu.dma_semaphore, #tpu.memory_space<semaphore_mem>>) src(%arg9 : memref<32x1024xf32, #tpu.memory_space<vmem>>) dst(%dma_wait3A_104 : memref<32x1024xf32, #tpu.memory_space<hbm>>)
      tpu.yield
    }) : () -> ()
    return
  }
}

module attributes {stable_mosaic.version = 14 : i64} {
  func.func @_rank_body(%arg0: i32, %arg1: memref<1x1x2048xf32, #tpu.memory_space<vmem>>, %arg2: memref<1x1x1024xi32, #tpu.memory_space<vmem>>) attributes {dimension_semantics = [#tpu.dimension_semantics<arbitrary>], iteration_bounds = array<i64: 4>, scalar_prefetch = 0 : i64, scratch_operands = 0 : i64, tpu.core_type = #tpu.core_type<tc>, window_params = [{transform_indices = @transform_0, window_bounds = array<i64: 1, 1, 2048>}, {transform_indices = @transform_1, window_bounds = array<i64: 1, 1, 1024>}]} {
    %get3A = arith.constant 0 : index
    %get3A_0 = arith.constant 0 : index
    %get3A_1 = arith.constant 0 : index
    %get3A_2 = vector.load %arg1[%get3A, %get3A_0, %get3A_1] : memref<1x1x2048xf32, #tpu.memory_space<vmem>>, vector<1x1x2048xf32>
    %get3A_3 = vector.shape_cast %get3A_2 : vector<1x1x2048xf32> to vector<1x2048xf32>
    %iota3A = tpu.iota {dimensions = array<i32: 1>} : vector<1x2048xi32>
    %iota3A_4 = tpu.iota {dimensions = array<i32: 1>} : vector<1x1024xi32>
    %broadcast_in_dim3A = arith.constant 0 : i32
    %broadcast_in_dim3A_5 = vector.broadcast %broadcast_in_dim3A : i32 to vector<1x1024xi32>
    %slice3A = vector.extract_strided_slice %get3A_3 {offsets = [0, 0], sizes = [1, 512], strides = [1, 1]} : vector<1x2048xf32> to vector<1x512xf32>
    %reshape3A = vector.shape_cast %slice3A : vector<1x512xf32> to vector<512x1xf32>
    %iota3A_6 = tpu.iota {dimensions = array<i32: 0>} : vector<512x1xi32>
    %add3A = arith.constant 0 : i32
    %add3A_7 = vector.broadcast %add3A : i32 to vector<512x1xi32>
    %add3A_8 = arith.addi %add3A_7, %iota3A_6 : vector<512x1xi32>
    %gt3A = vector.broadcast %reshape3A : vector<512x1xf32> to vector<512x2048xf32>
    %gt3A_9 = vector.broadcast %get3A_3 : vector<1x2048xf32> to vector<512x2048xf32>
    %gt3A_10 = arith.cmpf ogt, %gt3A, %gt3A_9 : vector<512x2048xf32>
    %eq3A = vector.broadcast %reshape3A : vector<512x1xf32> to vector<512x2048xf32>
    %eq3A_11 = vector.broadcast %get3A_3 : vector<1x2048xf32> to vector<512x2048xf32>
    %eq3A_12 = arith.cmpf oeq, %eq3A, %eq3A_11 : vector<512x2048xf32>
    %lt3A = vector.broadcast %add3A_8 : vector<512x1xi32> to vector<512x2048xi32>
    %lt3A_13 = vector.broadcast %iota3A : vector<1x2048xi32> to vector<512x2048xi32>
    %lt3A_14 = arith.cmpi slt, %lt3A, %lt3A_13 : vector<512x2048xi32>
    %and3A = arith.andi %eq3A_12, %lt3A_14 : vector<512x2048xi1>
    %or3A = arith.ori %gt3A_10, %and3A : vector<512x2048xi1>
    %convert_element_type3A = arith.extui %or3A : vector<512x2048xi1> to vector<512x2048xi32>
    %reduce_sum3A = arith.constant dense<0> : vector<512xi32>
    %reduce_sum3A_15 = vector.multi_reduction <add>, %convert_element_type3A, %reduce_sum3A [1] : vector<512x2048xi32> to vector<512xi32>
    %broadcast_in_dim3A_16 = vector.shape_cast %reduce_sum3A_15 : vector<512xi32> to vector<512x1xi32>
    %sub3A = arith.constant 2047 : i32
    %sub3A_17 = vector.broadcast %sub3A : i32 to vector<512x1xi32>
    %sub3A_18 = arith.subi %sub3A_17, %broadcast_in_dim3A_16 : vector<512x1xi32>
    %eq3A_19 = vector.broadcast %sub3A_18 : vector<512x1xi32> to vector<512x1024xi32>
    %eq3A_20 = vector.broadcast %iota3A_4 : vector<1x1024xi32> to vector<512x1024xi32>
    %eq3A_21 = arith.cmpi eq, %eq3A_19, %eq3A_20 : vector<512x1024xi32>
    %jit3A = arith.constant 0 : i32
    %broadcast_in_dim3A_22 = vector.shape_cast %add3A_8 : vector<512x1xi32> to vector<512x1xi32>
    %broadcast_in_dim3A_23 = vector.broadcast %broadcast_in_dim3A_22 : vector<512x1xi32> to vector<512x1024xi32>
    %broadcast_in_dim3A_24 = vector.broadcast %jit3A : i32 to vector<512x1024xi32>
    %select_n3A = arith.select %eq3A_21, %broadcast_in_dim3A_23, %broadcast_in_dim3A_24 : vector<512x1024xi1>, vector<512x1024xi32>
    %reduce_sum3A_25 = arith.constant dense<0> : vector<1024xi32>
    %reduce_sum3A_26 = vector.multi_reduction <add>, %select_n3A, %reduce_sum3A_25 [0] : vector<512x1024xi32> to vector<1024xi32>
    %broadcast_in_dim3A_27 = vector.shape_cast %reduce_sum3A_26 : vector<1024xi32> to vector<1x1024xi32>
    %add3A_28 = arith.addi %broadcast_in_dim3A_5, %broadcast_in_dim3A_27 : vector<1x1024xi32>
    %slice3A_29 = vector.extract_strided_slice %get3A_3 {offsets = [0, 512], sizes = [1, 512], strides = [1, 1]} : vector<1x2048xf32> to vector<1x512xf32>
    %reshape3A_30 = vector.shape_cast %slice3A_29 : vector<1x512xf32> to vector<512x1xf32>
    %iota3A_31 = tpu.iota {dimensions = array<i32: 0>} : vector<512x1xi32>
    %add3A_32 = arith.constant 512 : i32
    %add3A_33 = vector.broadcast %add3A_32 : i32 to vector<512x1xi32>
    %add3A_34 = arith.addi %add3A_33, %iota3A_31 : vector<512x1xi32>
    %gt3A_35 = vector.broadcast %reshape3A_30 : vector<512x1xf32> to vector<512x2048xf32>
    %gt3A_36 = vector.broadcast %get3A_3 : vector<1x2048xf32> to vector<512x2048xf32>
    %gt3A_37 = arith.cmpf ogt, %gt3A_35, %gt3A_36 : vector<512x2048xf32>
    %eq3A_38 = vector.broadcast %reshape3A_30 : vector<512x1xf32> to vector<512x2048xf32>
    %eq3A_39 = vector.broadcast %get3A_3 : vector<1x2048xf32> to vector<512x2048xf32>
    %eq3A_40 = arith.cmpf oeq, %eq3A_38, %eq3A_39 : vector<512x2048xf32>
    %lt3A_41 = vector.broadcast %add3A_34 : vector<512x1xi32> to vector<512x2048xi32>
    %lt3A_42 = vector.broadcast %iota3A : vector<1x2048xi32> to vector<512x2048xi32>
    %lt3A_43 = arith.cmpi slt, %lt3A_41, %lt3A_42 : vector<512x2048xi32>
    %and3A_44 = arith.andi %eq3A_40, %lt3A_43 : vector<512x2048xi1>
    %or3A_45 = arith.ori %gt3A_37, %and3A_44 : vector<512x2048xi1>
    %convert_element_type3A_46 = arith.extui %or3A_45 : vector<512x2048xi1> to vector<512x2048xi32>
    %reduce_sum3A_47 = arith.constant dense<0> : vector<512xi32>
    %reduce_sum3A_48 = vector.multi_reduction <add>, %convert_element_type3A_46, %reduce_sum3A_47 [1] : vector<512x2048xi32> to vector<512xi32>
    %broadcast_in_dim3A_49 = vector.shape_cast %reduce_sum3A_48 : vector<512xi32> to vector<512x1xi32>
    %sub3A_50 = arith.constant 2047 : i32
    %sub3A_51 = vector.broadcast %sub3A_50 : i32 to vector<512x1xi32>
    %sub3A_52 = arith.subi %sub3A_51, %broadcast_in_dim3A_49 : vector<512x1xi32>
    %eq3A_53 = vector.broadcast %sub3A_52 : vector<512x1xi32> to vector<512x1024xi32>
    %eq3A_54 = vector.broadcast %iota3A_4 : vector<1x1024xi32> to vector<512x1024xi32>
    %eq3A_55 = arith.cmpi eq, %eq3A_53, %eq3A_54 : vector<512x1024xi32>
    %jit3A_56 = arith.constant 0 : i32
    %broadcast_in_dim3A_57 = vector.shape_cast %add3A_34 : vector<512x1xi32> to vector<512x1xi32>
    %broadcast_in_dim3A_58 = vector.broadcast %broadcast_in_dim3A_57 : vector<512x1xi32> to vector<512x1024xi32>
    %broadcast_in_dim3A_59 = vector.broadcast %jit3A_56 : i32 to vector<512x1024xi32>
    %select_n3A_60 = arith.select %eq3A_55, %broadcast_in_dim3A_58, %broadcast_in_dim3A_59 : vector<512x1024xi1>, vector<512x1024xi32>
    %reduce_sum3A_61 = arith.constant dense<0> : vector<1024xi32>
    %reduce_sum3A_62 = vector.multi_reduction <add>, %select_n3A_60, %reduce_sum3A_61 [0] : vector<512x1024xi32> to vector<1024xi32>
    %broadcast_in_dim3A_63 = vector.shape_cast %reduce_sum3A_62 : vector<1024xi32> to vector<1x1024xi32>
    %add3A_64 = arith.addi %add3A_28, %broadcast_in_dim3A_63 : vector<1x1024xi32>
    %slice3A_65 = vector.extract_strided_slice %get3A_3 {offsets = [0, 1024], sizes = [1, 512], strides = [1, 1]} : vector<1x2048xf32> to vector<1x512xf32>
    %reshape3A_66 = vector.shape_cast %slice3A_65 : vector<1x512xf32> to vector<512x1xf32>
    %iota3A_67 = tpu.iota {dimensions = array<i32: 0>} : vector<512x1xi32>
    %add3A_68 = arith.constant 1024 : i32
    %add3A_69 = vector.broadcast %add3A_68 : i32 to vector<512x1xi32>
    %add3A_70 = arith.addi %add3A_69, %iota3A_67 : vector<512x1xi32>
    %gt3A_71 = vector.broadcast %reshape3A_66 : vector<512x1xf32> to vector<512x2048xf32>
    %gt3A_72 = vector.broadcast %get3A_3 : vector<1x2048xf32> to vector<512x2048xf32>
    %gt3A_73 = arith.cmpf ogt, %gt3A_71, %gt3A_72 : vector<512x2048xf32>
    %eq3A_74 = vector.broadcast %reshape3A_66 : vector<512x1xf32> to vector<512x2048xf32>
    %eq3A_75 = vector.broadcast %get3A_3 : vector<1x2048xf32> to vector<512x2048xf32>
    %eq3A_76 = arith.cmpf oeq, %eq3A_74, %eq3A_75 : vector<512x2048xf32>
    %lt3A_77 = vector.broadcast %add3A_70 : vector<512x1xi32> to vector<512x2048xi32>
    %lt3A_78 = vector.broadcast %iota3A : vector<1x2048xi32> to vector<512x2048xi32>
    %lt3A_79 = arith.cmpi slt, %lt3A_77, %lt3A_78 : vector<512x2048xi32>
    %and3A_80 = arith.andi %eq3A_76, %lt3A_79 : vector<512x2048xi1>
    %or3A_81 = arith.ori %gt3A_73, %and3A_80 : vector<512x2048xi1>
    %convert_element_type3A_82 = arith.extui %or3A_81 : vector<512x2048xi1> to vector<512x2048xi32>
    %reduce_sum3A_83 = arith.constant dense<0> : vector<512xi32>
    %reduce_sum3A_84 = vector.multi_reduction <add>, %convert_element_type3A_82, %reduce_sum3A_83 [1] : vector<512x2048xi32> to vector<512xi32>
    %broadcast_in_dim3A_85 = vector.shape_cast %reduce_sum3A_84 : vector<512xi32> to vector<512x1xi32>
    %sub3A_86 = arith.constant 2047 : i32
    %sub3A_87 = vector.broadcast %sub3A_86 : i32 to vector<512x1xi32>
    %sub3A_88 = arith.subi %sub3A_87, %broadcast_in_dim3A_85 : vector<512x1xi32>
    %eq3A_89 = vector.broadcast %sub3A_88 : vector<512x1xi32> to vector<512x1024xi32>
    %eq3A_90 = vector.broadcast %iota3A_4 : vector<1x1024xi32> to vector<512x1024xi32>
    %eq3A_91 = arith.cmpi eq, %eq3A_89, %eq3A_90 : vector<512x1024xi32>
    %jit3A_92 = arith.constant 0 : i32
    %broadcast_in_dim3A_93 = vector.shape_cast %add3A_70 : vector<512x1xi32> to vector<512x1xi32>
    %broadcast_in_dim3A_94 = vector.broadcast %broadcast_in_dim3A_93 : vector<512x1xi32> to vector<512x1024xi32>
    %broadcast_in_dim3A_95 = vector.broadcast %jit3A_92 : i32 to vector<512x1024xi32>
    %select_n3A_96 = arith.select %eq3A_91, %broadcast_in_dim3A_94, %broadcast_in_dim3A_95 : vector<512x1024xi1>, vector<512x1024xi32>
    %reduce_sum3A_97 = arith.constant dense<0> : vector<1024xi32>
    %reduce_sum3A_98 = vector.multi_reduction <add>, %select_n3A_96, %reduce_sum3A_97 [0] : vector<512x1024xi32> to vector<1024xi32>
    %broadcast_in_dim3A_99 = vector.shape_cast %reduce_sum3A_98 : vector<1024xi32> to vector<1x1024xi32>
    %add3A_100 = arith.addi %add3A_64, %broadcast_in_dim3A_99 : vector<1x1024xi32>
    %slice3A_101 = vector.extract_strided_slice %get3A_3 {offsets = [0, 1536], sizes = [1, 512], strides = [1, 1]} : vector<1x2048xf32> to vector<1x512xf32>
    %reshape3A_102 = vector.shape_cast %slice3A_101 : vector<1x512xf32> to vector<512x1xf32>
    %iota3A_103 = tpu.iota {dimensions = array<i32: 0>} : vector<512x1xi32>
    %add3A_104 = arith.constant 1536 : i32
    %add3A_105 = vector.broadcast %add3A_104 : i32 to vector<512x1xi32>
    %add3A_106 = arith.addi %add3A_105, %iota3A_103 : vector<512x1xi32>
    %gt3A_107 = vector.broadcast %reshape3A_102 : vector<512x1xf32> to vector<512x2048xf32>
    %gt3A_108 = vector.broadcast %get3A_3 : vector<1x2048xf32> to vector<512x2048xf32>
    %gt3A_109 = arith.cmpf ogt, %gt3A_107, %gt3A_108 : vector<512x2048xf32>
    %eq3A_110 = vector.broadcast %reshape3A_102 : vector<512x1xf32> to vector<512x2048xf32>
    %eq3A_111 = vector.broadcast %get3A_3 : vector<1x2048xf32> to vector<512x2048xf32>
    %eq3A_112 = arith.cmpf oeq, %eq3A_110, %eq3A_111 : vector<512x2048xf32>
    %lt3A_113 = vector.broadcast %add3A_106 : vector<512x1xi32> to vector<512x2048xi32>
    %lt3A_114 = vector.broadcast %iota3A : vector<1x2048xi32> to vector<512x2048xi32>
    %lt3A_115 = arith.cmpi slt, %lt3A_113, %lt3A_114 : vector<512x2048xi32>
    %and3A_116 = arith.andi %eq3A_112, %lt3A_115 : vector<512x2048xi1>
    %or3A_117 = arith.ori %gt3A_109, %and3A_116 : vector<512x2048xi1>
    %convert_element_type3A_118 = arith.extui %or3A_117 : vector<512x2048xi1> to vector<512x2048xi32>
    %reduce_sum3A_119 = arith.constant dense<0> : vector<512xi32>
    %reduce_sum3A_120 = vector.multi_reduction <add>, %convert_element_type3A_118, %reduce_sum3A_119 [1] : vector<512x2048xi32> to vector<512xi32>
    %broadcast_in_dim3A_121 = vector.shape_cast %reduce_sum3A_120 : vector<512xi32> to vector<512x1xi32>
    %sub3A_122 = arith.constant 2047 : i32
    %sub3A_123 = vector.broadcast %sub3A_122 : i32 to vector<512x1xi32>
    %sub3A_124 = arith.subi %sub3A_123, %broadcast_in_dim3A_121 : vector<512x1xi32>
    %eq3A_125 = vector.broadcast %sub3A_124 : vector<512x1xi32> to vector<512x1024xi32>
    %eq3A_126 = vector.broadcast %iota3A_4 : vector<1x1024xi32> to vector<512x1024xi32>
    %eq3A_127 = arith.cmpi eq, %eq3A_125, %eq3A_126 : vector<512x1024xi32>
    %jit3A_128 = arith.constant 0 : i32
    %broadcast_in_dim3A_129 = vector.shape_cast %add3A_106 : vector<512x1xi32> to vector<512x1xi32>
    %broadcast_in_dim3A_130 = vector.broadcast %broadcast_in_dim3A_129 : vector<512x1xi32> to vector<512x1024xi32>
    %broadcast_in_dim3A_131 = vector.broadcast %jit3A_128 : i32 to vector<512x1024xi32>
    %select_n3A_132 = arith.select %eq3A_127, %broadcast_in_dim3A_130, %broadcast_in_dim3A_131 : vector<512x1024xi1>, vector<512x1024xi32>
    %reduce_sum3A_133 = arith.constant dense<0> : vector<1024xi32>
    %reduce_sum3A_134 = vector.multi_reduction <add>, %select_n3A_132, %reduce_sum3A_133 [0] : vector<512x1024xi32> to vector<1024xi32>
    %broadcast_in_dim3A_135 = vector.shape_cast %reduce_sum3A_134 : vector<1024xi32> to vector<1x1024xi32>
    %add3A_136 = arith.addi %add3A_100, %broadcast_in_dim3A_135 : vector<1x1024xi32>
    %mul3A = arith.constant 2048 : i32
    %mul3A_137 = arith.muli %arg0, %mul3A : i32
    %add3A_138 = vector.broadcast %mul3A_137 : i32 to vector<1x1024xi32>
    %add3A_139 = arith.addi %add3A_136, %add3A_138 : vector<1x1024xi32>
    %swap3A = arith.constant 0 : index
    %swap3A_140 = arith.constant 0 : index
    %swap3A_141 = arith.constant 0 : index
    %swap3A_142 = vector.load %arg2[%swap3A, %swap3A_140, %swap3A_141] : memref<1x1x1024xi32, #tpu.memory_space<vmem>>, vector<1x1x1024xi32>
    %swap3A_143 = vector.shape_cast %swap3A_142 : vector<1x1x1024xi32> to vector<1x1024xi32>
    %swap3A_144 = vector.shape_cast %add3A_139 : vector<1x1024xi32> to vector<1x1x1024xi32>
    tpu.vector_store %arg2[%swap3A, %swap3A_140, %swap3A_141], %swap3A_144 {strides = array<i32>} : memref<1x1x1024xi32, #tpu.memory_space<vmem>>, vector<1x1x1024xi32>,
    return
  }
  func.func @transform_0(%arg0: i32) -> (i32, i32, i32) {
    %c0_i32 = arith.constant 0 : i32
    %c0_i32_0 = arith.constant 0 : i32
    %c0_i32_1 = arith.constant 0 : i32
    return %arg0, %c0_i32, %c0_i32_0 : i32, i32, i32
  }
  func.func @transform_1(%arg0: i32) -> (i32, i32, i32) {
    %c0_i32 = arith.constant 0 : i32
    %c0_i32_0 = arith.constant 0 : i32
    %c0_i32_1 = arith.constant 0 : i32
    return %arg0, %c0_i32, %c0_i32_0 : i32, i32, i32
  }
}

</mosaic_0001>

<sc_bundles>
// kernel: kernel.4.cloned.1.call-start
scs
__scs_entry_jumppad:
0x0: {  	(pc) =	sbr.rel $0x88, $3  }
0x1: {  	(tag) =	ssettag $0x0;
	lr =	simm.s32 $0x1  }
0x2: {  	[smem:$0x3F99] =	sst lr;
	_ =	strace $0xD0000000  }
0x3: {  	_ = 	snop  }
0x4: {  	_ = 	snop  }
0x5: {  	_ = 	snop  }
0x6: {  	_ = 	snop  }
0x7: {  	_ = 	snop  }
__scs_overlays_trampoline_lowered:
0x8: {  	[smem:$0x3FA8] =	sst s0  }
0x9: {  	[smem:$0x3FA9] =	sst s1  }
0xa: {  	[smem:$0x3FAA] =	sst s2  }
0xb: {  	[smem:$0x3FAB] =	sst s3  }
0xc: {  	[smem:$0x3FAC] =	sst s4  }
0xd: {  	[smem:$0x3FAD] =	sst s5  }
0xe: {  	[smem:$0x3FAE] =	sst s6  }
0xf: {  	[smem:$0x3FAF] =	sst s7  }
0x10: {  	[smem:$0x3FB0] =	sst s8  }
0x11: {  	[smem:$0x3FB1] =	sst s9;
	s0 =	simm.s32 @!p0 $0x0  }
0x12: {  	s1 =	sld [smem:$0x3F97];
	s0 =	simm.s32 @p0 $0x1  }
0x13: {  	[smem:$0x3FB2] =	sst s0;
	s0 =	simm.s32 @!p1 $0x0  }
0x14: {  	s2 =	sld [smem:$0x3F96];
	s0 =	simm.s32 @p1 $0x1  }
0x15: {  	[smem:$0x3FB3] =	sst s0;
	s0 =	simm.s32 @!p2 $0x0  }
0x16: {  	s3 =	sld [smem:$0x3FDB];
	s0 =	simm.s32 @p2 $0x1  }
0x17: {  	s4 =	simm.s32 $0x1BF5;
	[smem:$0x3FB5] =	sst s0  }
0x18: {  	s0 =	sld [smem:$0x3F98];
	_ =	swait.ge [sflag:s4], $0x0  }
0x19: {  	s7 =	sld [smem:$0x3F99]  }
0x1a: {  	s8 =	sadd.s32 $0xFFFFE003, lr  }
0x1b: {  	s9 =	sadd.s32 $0xFFFFFEF7, lr;
	s5 =	simm.s32 $0xFFFFFFFF;
	p2 =	slt.u32 s8, $0xFFFFF086  }
0x1c: {  	p1 =	slt.u32 s9, $0xF7A;
	s5 =	simm.s32 @!p2 $0x0  }
0x1d: {  	s5 =	simm.s32 @p1 $0x1;
	p0 =	seq.s32 s7, s2  }
0x1e: {  	s7 =	smul.u32 @!p0 $0xF7A, s2;
	p2 =	seq.s32 @!p0 s5, $0x0  }
0x1f: {  	s9 =	smul.u32 $0xF7A, s1;
	s8 =	simm.s32 @!p0 $0x1BF5;
	p2 =	por !p2, p0  }
0x20: {  	[sflag:s8] =	ssyncset.s32 @!p0 $0xFFFFF086;
	s6 =	sadd.s32 @!p0 s3, s7;
	s7 =	simm.s32 @!p0 $0x108  }
0x21: {  	s3 =	sadd.s32 s3, s9;
	s6 =	sadd.s32 @!p0 $0x88, s6;
	s7 =	simm.s32 @p2 $0x1082  }
0x22: {  	[simem:s7], [sflag:s8] =	dma.local @!p0 [hbm:s6], $0xF7A  }
0x23: {  	s9 =	sor.u32 $0xD0000000, s2;
	s6 =	simm.s32 $0x108;
	_ =	swait.ge @!p0 [sflag:s8], $0x0  }
0x24: {  	s3 =	sadd.s32 $0x88, s3;
	s6 =	simm.s32 @!p1 $0x1082;
	[sflag:s4] =	ssyncset.s32 $0xFFFFF086  }
0x25: {  	[simem:s6], [sflag:s4] =	dma.local [hbm:s3], $0xF7A  }
0x26: {  	[smem:$0x3F99] =	sst s1;
	(tag) =	ssettag s2;
	_ =	strace s9  }
0x27: {  	s1 =	sld [smem:$0x3FA9]  }
0x28: {  	s2 =	sld [smem:$0x3FAA]  }
0x29: {  	s4 =	sld [smem:$0x3FAC]  }
0x2a: {  	p0 =	seq.s32 s5, $0x0;
	s5 =	sld [smem:$0x3FAD]  }
0x2b: {  	s6 =	sld [smem:$0x3FAE]  }
0x2c: {  	s7 =	sld [smem:$0x3FAF]  }
0x2d: {  	s3 =	simm.s32 $0x108;
	s8 =	sld [smem:$0x3FB0]  }
0x2e: {  	s3 =	simm.s32 @!p0 $0x1082;
	s9 =	sld [smem:$0x3FB1]  }
0x2f: {  	lr =	sadd.s32 s0, s3;
	s0 =	sld [smem:$0x3FA8]  }
0x30: {  	s3 =	sld [smem:$0x3FAB]  }
0x31: {  	[smem:$0x3FB4] =	sst s10  }
0x32: {  	s10 =	sld [smem:$0x3FB2];
	_ =	sdelay $0x3  }
0x33: {  	p0 =	seq.s32 s10, $0x1;
	s10 =	sld [smem:$0x3FB4];
	_ =	sdelay $0x3  }
0x34: {  	[smem:$0x3FB4] =	sst s10  }
0x35: {  	s10 =	sld [smem:$0x3FB3];
	_ =	sdelay $0x3  }
0x36: {  	p1 =	seq.s32 s10, $0x1;
	s10 =	sld [smem:$0x3FB4];
	_ =	sdelay $0x3  }
0x37: {  	[smem:$0x3FB4] =	sst s10  }
0x38: {  	s10 =	sld [smem:$0x3FB5]  }
0x39: {  	_ = 	snop;
	(pc) =	sbr.ind lr, $3  }
0x3a: {  	_ = 	snop  }
0x3b: {  	_ = 	snop  }
0x3c: {  	p2 =	seq.s32 s10, $0x1;
	s10 =	sld [smem:$0x3FB4]  }
0x3d: {  	_ =	shalt  }
0x3e: {  	_ =	shalt  }
0x3f: {  	_ =	shalt  }
0x40: {  	_ =	shalt  }
0x41: {  	_ =	shalt  }
0x42: {  	_ =	shalt  }
0x43: {  	_ =	shalt  }
0x44: {  	_ =	shalt  }
0x45: {  	_ =	shalt  }
0x46: {  	_ =	shalt  }
0x47: {  	_ =	shalt  }
0x48: {  	_ =	shalt  }
0x49: {  	_ =	shalt  }
0x4a: {  	_ =	shalt  }
0x4b: {  	_ =	shalt  }
0x4c: {  	_ =	shalt  }
0x4d: {  	_ =	shalt  }
0x4e: {  	_ =	shalt  }
0x4f: {  	_ =	shalt  }
0x50: {  	_ =	shalt  }
0x51: {  	_ =	shalt  }
0x52: {  	_ =	shalt  }
0x53: {  	_ =	shalt  }
0x54: {  	_ =	shalt  }
0x55: {  	_ =	shalt  }
0x56: {  	_ =	shalt  }
0x57: {  	_ =	shalt  }
0x58: {  	_ =	shalt  }
0x59: {  	_ =	shalt  }
0x5a: {  	_ =	shalt  }
0x5b: {  	_ =	shalt  }
0x5c: {  	_ =	shalt  }
0x5d: {  	_ =	shalt  }
0x5e: {  	_ =	shalt  }
0x5f: {  	_ =	shalt  }
0x60: {  	_ =	shalt  }
0x61: {  	_ =	shalt  }
0x62: {  	_ =	shalt  }
0x63: {  	_ =	shalt  }
0x64: {  	_ =	shalt  }
0x65: {  	_ =	shalt  }
0x66: {  	_ =	shalt  }
0x67: {  	_ =	shalt  }
0x68: {  	_ =	shalt  }
0x69: {  	_ =	shalt  }
0x6a: {  	_ =	shalt  }
0x6b: {  	_ =	shalt  }
0x6c: {  	_ =	shalt  }
0x6d: {  	_ =	shalt  }
0x6e: {  	_ =	shalt  }
0x6f: {  	_ =	shalt  }
0x70: {  	_ =	shalt  }
0x71: {  	_ =	shalt  }
0x72: {  	_ =	shalt  }
0x73: {  	_ =	shalt  }
0x74: {  	_ =	shalt  }
0x75: {  	_ =	shalt  }
0x76: {  	_ =	shalt  }
0x77: {  	_ =	shalt  }
0x78: {  	_ =	shalt  }
0x79: {  	_ =	shalt  }
0x7a: {  	_ =	shalt  }
0x7b: {  	_ =	shalt  }
0x7c: {  	_ =	shalt  }
0x7d: {  	_ =	shalt  }
0x7e: {  	_ =	shalt  }
0x7f: {  	_ =	shalt  }
0x80: {  	_ =	shalt  }
0x81: {  	_ =	shalt  }
0x82: {  	_ =	shalt  }
0x83: {  	_ =	shalt  }
0x84: {  	_ =	shalt  }
0x85: {  	_ =	shalt  }
0x86: {  	_ =	shalt  }
0x87: {  	_ =	shalt  }
.Lfunc_end0:
.L_simem_size_0:
called_computation_lowered:
.L_overlay_start_0:
0x88: {  	s2 =	sld [smem:$0x3FD9]  }
0x89: {  	s3 =	sld [smem:$0x3FFE];
	_ =	sdelay $0x1  }
0x8a: {  	s1 =	srdreg.scid  }
0x8b: {  	s0 =	sand.u32 $0x1, s1  }
0x8c: {  	s14 =	sshll.u32 s0, $0xA;
	s2 =	sadd.s32 s3, s2  }
0x8d: {  	s2 =	sadd.s32 s2, s14  }
0x8e: {  	[smem:$0x3FC0] =	sst s2  }
0x8f: {  	_ = 	snop  }
0x90: {  	s2 =	sld [smem:$0x3FD0];
	_ =	sdelay $0x1  }
0x91: {  	s15 =	sld [smem:$0x3FC9]  }
0x92: {  	s5 =	simm.s32 $0xA;
	s6 =	simm.s32 $0x10;
	s4 =	sld [smem:$0x3FC8]  }
0x93: {  	[smem:s6], [sflag:s5] =	dma.local [hbm:s2], $0x1  }
0x94: {  	_ =	swait.eq [sflag:s5], $0x1  }
0x95: {  	[sflag:s5] =	ssyncset.done $0x0  }
0x96: {  	s16 =	sld [smem:$0x10];
	[sflag:s5] =	ssyncadd.s32 $0xFFFFFFFF  }
0x97: {  	s17 =	sld [smem:$0x11];
	(tm) =	ssettm $0x1  }
0x98: {  	s18 =	sld [smem:$0x3FFB];
	_ =	sdelay $0x3  }
0x99: {  	_ =	strace s18  }
0x9a: {  	s6 =	sld [smem:$0x3FFC];
	_ =	sdelay $0x3  }
0x9b: {  	_ =	strace s6  }
0x9c: {  	s6 =	sld [smem:$0x3FFD];
	_ =	sdelay $0x3  }
0x9d: {  	_ =	strace s6  }
0x9e: {  	_ =	strace $0x8FFFFFFF  }
0x9f: {  	s19 =	sld [smem:$0x3FDB];
	_ =	sdelay $0x1  }
0xa0: {  	s7 =	simm.s32 $_scs_section_size  }
0xa1: {  	s8 =	simm.s32 $_size__tile_overlayer_lowered;
	s9 =	simm.s32 $_tile_overlayer_lowered  }
0xa2: {  	s22 =	simm.s32 $0x1BFF;
	s21 =	sshll.u32 s9, $0x1;
	s6 =	sadd.s32 s7, s19  }
0xa3: {  	s10 =	simm.s32 $0x0;
	s20 =	sshll.u32 s8, $0x1;
	s8 =	sadd.s32 s21, s6  }
0xa4: {  	[timem:s10], [sflag:s22] =	dma.local [hbm:s8], s20  }
0xa5: {  	_ =	swait.ge [sflag:s22], s20  }
0xa6: {  	s7 =	ssub.s32 $0x0, s20;
	[sflag:s22] =	ssyncset.done $0x0  }
0xa7: {  	[sflag:s22] =	ssyncadd.s32 s7;
	_ =	sdelay $0x1  }
0xa8: {  	s23 =	simm.s32 $0x1B8B  }
0xa9: {  	_ =	swait.ge [sflag:s23], $0x1  }
0xaa: {  	[sflag:s23] =	ssyncset.done $0x0  }
0xab: {  	s25 =	simm.s32 $0x1B8E;
	s24 =	sld [smem:$0x3FFE];
	[sflag:s23] =	ssyncadd.s32 $0xFFFFFFFF  }
0xac: {  	s26 =	simm.s32 $execute0_lowered;
	[smem:$0x3FD2] =	sst s25  }
0xad: {  	s8 =	sshll.u32 s26, $0x1;
	_ =	strace $0x80000046;
	[dreg:$0x1] =	wrdreg $0xFFFFFFFF  }
0xae: {  	s28 =	simm.s32 $_size_execute0_lowered;
	s6 =	sadd.s32 s6, s8;
	[dreg:$0x0] =	wrdreg $0x0  }
0xaf: {  	s8 =	sshll.u32 s28, $0x1;
	[dreg:$0x2] =	wrdreg s6  }
0xb0: {  	[dreg:$0x3] =	wrdreg s8  }
0xb1: {  	[dreg:$0x4] =	wrdreg $0xC0  }
0xb2: {  	_ =	task [dreg:s10], $0x5FFFF  }
0xb3: {  	[dreg:$0x1] =	wrdreg $0xFFFFFFFF  }
0xb4: {  	[dreg:$0x0] =	wrdreg $0x60  }
0xb5: {  	[dreg:$0x2] =	wrdreg s24  }
0xb6: {  	[dreg:$0x3] =	wrdreg s15  }
0xb7: {  	[dreg:$0x4] =	wrdreg s4  }
0xb8: {  	[dreg:$0x5] =	wrdreg s16  }
0xb9: {  	[dreg:$0x6] =	wrdreg s17  }
0xba: {  	[dreg:$0x7] =	wrdreg $0x9  }
0xbb: {  	_ =	task.clear_ibuf [dreg:s10], $0x8FFFF;
	_ =	strace $0x90000046  }
0xbc: {  	s29 =	simm.s32 $0x9;
	_ =	strace $0x80000048  }
0xbd: {  	_ =	swait.ge [sflag:s29], $0x1  }
0xbe: {  	[sflag:s29] =	ssyncadd.s32 $0xFFFFFFFF  }
0xbf: {  	_ =	strace $0x90000048  }
0xc0: {  	_ =	sfence  }
0xc1: {  	s30 =	sld [smem:$0x0];
	_ =	sdelay $0x2  }
0xc2: {  	s31 =	sshll.u32 s1, $0xD;
	s1 =	sshrl.u32 s1, $0x2  }
0xc3: {  	s3 =	sand.u32 $0x4000, s31;
	s1 =	sadd.s32 s1, s30  }
0xc4: {  	s0 =	sor.u32 s3, s0;
	s1 =	sshll.u32 s1, $0x11  }
0xc5: {  	s0 =	sor.u32 s1, s0  }
0xc6: {  	s0 =	sadd.s32 $0x8F2B, s0  }
0xc7: {  	[sflag:s0] =	ssyncadd.remote.s32 $0x1  }
0xc8: {  	_ =	sfence.sel $0xFFFF  }
0xc9: {  	[dreg:$0x0] =	wrdreg $0xFFFFFFFF;
	(pc) =	sbr.abs _section_cstart, $3  }
0xca: {  	[dreg:$0x1] =	wrdreg $0xFFFFFFFF  }
0xcb: {  	_ =	task.clear_ibuf [dreg:s10], $0x2FFFF;
	_ =	strace $0x9FFFFFFF  }
0xcc: {  	(tm) =	ssettm $0x7FFFFFFF  }
0xcd: {  	_ =	shalt  }
tec
execute0_lowered:
.L_overlay_start_1:
0x0: {  	(tag) =	ssettag $0x1  }
0x1: {  	s0 =	rddreg [dreg:$0x0]  }
0x2: {  	s1 =	rddreg [dreg:$0x1]  }
0x3: {  	s2 =	rddreg [dreg:$0x2]  }
0x4: {  	s3 =	srdreg.scid;
	s7 =	rddreg [dreg:$0x3]  }
0x5: {  	s4 =	stileid.u32;
	s11 =	rddreg [dreg:$0x4];
	s14 =	simm.s32 $0x1  }
0x6: {  	s29 =	simm.s32 $0x2;
	s30 =	simm.s32 $0x80;
	s13 =	simm.s32 $0x8080  }
0x7: {  	s31 =	simm.s32 $0x10880;
	s15 =	simm.s32 $0x11880;
	s16 =	simm.s32 $0x12080  }
0x8: {  	s17 =	simm.s32 $0x12880;
	s18 =	simm.s32 $0x13080;
	s19 =	simm.s32 $0x13880  }
0x9: {  	s3 =	sand.u32 $0x1, s3;
	s5 =	sshll.u32 s4, $0x8;
	s4 =	simm.s32 $0x0  }
0xa: {  	s6 =	sshll.u32 s3, $0x7;
	[smem:$0x7FF] =	sst s4;
	s3 =	ssub.s32 $0x2, s3  }
0xb: {  	s5 =	sor.u32 s6, s5;
	_ =	strace $0x80000047;
	s8 =	sshrl.u32 s3, $0x1  }
0xc: {  	s6 =	sshrl.u32 s5, $0x3;
	s3 =	ssub.s32 s3, s8;
	s20 =	sshll.u32 s5, $0x7  }
0xd: {  	s5 =	sadd.s32 $0x100, s1;
	s8 =	sadd.s32 $0x100, s2;
	s0 =	sadd.s32 s0, s6  }
0xe: {  	s21 =	sadd.s32 s7, s20;
	s9 =	sor.u32 $0x1000, s20;
	s10 =	sor.u32 $0x2000, s20  }
0xf: {  	s12 =	sor.u32 $0x3000, s20;
	s6 =	sadd.s32 $0x200, s1;
	[dreg:$0x6] =	wrdreg s0  }
0x10: {  	[dreg:$0x7] =	wrdreg s21;
	s22 =	sadd.s32 s7, s9;
	s23 =	sadd.s32 s7, s10  }
0x11: {  	s24 =	sadd.s32 s7, s12;
	s7 =	sadd.s32 $0x300, s1;
	[dreg:$0x8] =	wrdreg s22  }
0x12: {  	s0 =	sadd.s32 s11, s20;
	s25 =	sadd.s32 s11, s9;
	[dreg:$0x9] =	wrdreg s23  }
0x13: {  	s9 =	sadd.s32 $0x200, s2;
	s26 =	sadd.s32 s11, s10;
	[dreg:$0xa] =	wrdreg s24  }
0x14: {  	s10 =	sadd.s32 $0x300, s2;
	s28 =	sadd.s32 s11, s12;
	[dreg:$0xb] =	wrdreg s0  }
0x15: {  	s11 =	smax.u32 s3, $0x1;
	s12 =	simm.s32 $0x4;
	[dreg:$0xc] =	wrdreg s25  }
0x16: {  	v2 =	vlaneseq.u32;
	s20 =	simm.s32 $0x14080;
	s21 =	simm.s32 $0x14880;
	[dreg:$0xd] =	wrdreg s26  }
0x17: {  	vm0 =	vmmov $0xffff;
	v1 =	vshrl.u32 v2, $0x3;
	[dreg:$0xe] =	wrdreg s28;
	s22 =	simm.s32 $0x15080;
	s23 =	simm.s32 $0x15880  }
0x18: {  	v0 =	vand.u32 $0x7, v2;
	v2 =	vor.u32 $0x8, v2;
	v1 =	vmul.u32 $0x8, v1;
	s24 =	simm.s32 $0x16080;
	s25 =	simm.s32 $0x16880;
	s26 =	simm.s32 $0x17080  }
.LBB2_1:
0x19: {  	s3 =	rddreg [dreg:$0x6]  }
0x1a: {  	[tilespmem:s4], [sflag:$0x4] =	stream.linear.gather [hbm4b:s3+s4], $0x80, $0x38;
	[tilespmem:$0x18080] =	vst v63  }
0x1b: {  	_ =	swait.ge [sflag:s12], $0x80  }
0x1c: {  	[sflag:s12] =	ssyncset.done $0x0  }
0x1d: {  	[sflag:s12] =	ssyncadd.s32 $0xFFFFFF80  }
0x1e: {  	v3 =	vld [tilespmem:$0x0];
	_ =	sdelay $0x4  }
0x1f: {  	v4 =	vshll.u32 v3, $0x3  }
0x20: {  	v3 =	vand.u32 $0x7, v3;
	v4 =	vand.u32 $0xFFFFFFC0, v4  }
0x21: {  	v3 =	vor.u32 v3, v4  }
0x22: {  	v4 =	vperm.xlane v3, v0;
	_ =	sdelay $0x1  }
0x23: {  	v4 =	vadd.s32 v1, v4;
	_ =	sdelay $0x4  }
0x24: {  	[tilespmem:s30], [sflag:$0x1] =	stream.indirect_vreg.gather [hbm4b:s1+s4], $0x80, v4, vm0, $0xb8;
	[tilespmem:$0x18080] =	vst v63  }
0x25: {  	s0 =	simm.s32 $0x880;
	v3 =	vperm.xlane v3, v2  }
0x26: {  	[tilespmem:s0], [sflag:$0x1] =	stream.indirect_vreg.gather [hbm4b:s5+s4], $0x80, v4, vm0, $0xb8;
	[tilespmem:$0x18080] =	vst v63  }
0x27: {  	s3 =	simm.s32 $0x1080;
	v3 =	vadd.s32 v1, v3  }
0x28: {  	[tilespmem:s3], [sflag:$0x1] =	stream.indirect_vreg.gather [hbm4b:s6+s4], $0x80, v4, vm0, $0xb8;
	[tilespmem:$0x18080] =	vst v63  }
0x29: {  	s3 =	simm.s32 $0x1880  }
0x2a: {  	[tilespmem:s3], [sflag:$0x1] =	stream.indirect_vreg.gather [hbm4b:s7+s4], $0x80, v4, vm0, $0xb8;
	[tilespmem:$0x18080] =	vst v63  }
0x2b: {  	s3 =	simm.s32 $0x2080  }
0x2c: {  	[tilespmem:s3], [sflag:$0x1] =	stream.indirect_vreg.gather [hbm4b:s1+s4], $0x80, v3, vm0, $0xb8;
	[tilespmem:$0x18080] =	vst v63  }
0x2d: {  	s3 =	simm.s32 $0x2880  }
0x2e: {  	[tilespmem:s3], [sflag:$0x1] =	stream.indirect_vreg.gather [hbm4b:s5+s4], $0x80, v3, vm0, $0xb8;
	[tilespmem:$0x18080] =	vst v63  }
0x2f: {  	s3 =	simm.s32 $0x3080  }
0x30: {  	[tilespmem:s3], [sflag:$0x1] =	stream.indirect_vreg.gather [hbm4b:s6+s4], $0x80, v3, vm0, $0xb8;
	[tilespmem:$0x18080] =	vst v63  }
0x31: {  	s3 =	simm.s32 $0x3880  }
0x32: {  	[tilespmem:s3], [sflag:$0x1] =	stream.indirect_vreg.gather [hbm4b:s7+s4], $0x80, v3, vm0, $0xb8;
	[tilespmem:$0x18080] =	vst v63  }
0x33: {  	v3 =	vld [tilespmem:$0x10];
	_ =	sdelay $0x4  }
0x34: {  	v49 =	vshll.u32 v3, $0x3  }
0x35: {  	v3 =	vand.u32 $0x7, v3;
	v4 =	vand.u32 $0xFFFFFFC0, v49  }
0x36: {  	v3 =	vor.u32 v3, v4  }
0x37: {  	v4 =	vperm.xlane v3, v0;
	_ =	sdelay $0x1  }
0x38: {  	v4 =	vadd.s32 v1, v4;
	_ =	sdelay $0x3  }
0x39: {  	s3 =	simm.s32 $0x4080  }
0x3a: {  	[tilespmem:s3], [sflag:$0x1] =	stream.indirect_vreg.gather [hbm4b:s1+s4], $0x80, v4, vm0, $0xb8;
	[tilespmem:$0x18080] =	vst v63  }
0x3b: {  	v3 =	vperm.xlane v3, v2;
	s3 =	simm.s32 $0x4880  }
0x3c: {  	[tilespmem:s3], [sflag:$0x1] =	stream.indirect_vreg.gather [hbm4b:s5+s4], $0x80, v4, vm0, $0xb8;
	[tilespmem:$0x18080] =	vst v63  }
0x3d: {  	v3 =	vadd.s32 v1, v3;
	s3 =	simm.s32 $0x5080  }
0x3e: {  	[tilespmem:s3], [sflag:$0x1] =	stream.indirect_vreg.gather [hbm4b:s6+s4], $0x80, v4, vm0, $0xb8;
	[tilespmem:$0x18080] =	vst v63  }
0x3f: {  	s3 =	simm.s32 $0x5880  }
0x40: {  	[tilespmem:s3], [sflag:$0x1] =	stream.indirect_vreg.gather [hbm4b:s7+s4], $0x80, v4, vm0, $0xb8;
	[tilespmem:$0x18080] =	vst v63  }
0x41: {  	s3 =	simm.s32 $0x6080  }
0x42: {  	[tilespmem:s3], [sflag:$0x1] =	stream.indirect_vreg.gather [hbm4b:s1+s4], $0x80, v3, vm0, $0xb8;
	[tilespmem:$0x18080] =	vst v63  }
0x43: {  	s3 =	simm.s32 $0x6880  }
0x44: {  	[tilespmem:s3], [sflag:$0x1] =	stream.indirect_vreg.gather [hbm4b:s5+s4], $0x80, v3, vm0, $0xb8;
	[tilespmem:$0x18080] =	vst v63  }
0x45: {  	s3 =	simm.s32 $0x7080  }
0x46: {  	[tilespmem:s3], [sflag:$0x1] =	stream.indirect_vreg.gather [hbm4b:s6+s4], $0x80, v3, vm0, $0xb8;
	[tilespmem:$0x18080] =	vst v63  }
0x47: {  	s3 =	simm.s32 $0x7880  }
0x48: {  	[tilespmem:s3], [sflag:$0x1] =	stream.indirect_vreg.gather [hbm4b:s7+s4], $0x80, v3, vm0, $0xb8;
	[tilespmem:$0x18080] =	vst v63  }
0x49: {  	v3 =	vld [tilespmem:$0x20];
	_ =	sdelay $0x4  }
0x4a: {  	v50 =	vshll.u32 v3, $0x3  }
0x4b: {  	v3 =	vand.u32 $0x7, v3;
	v4 =	vand.u32 $0xFFFFFFC0, v50  }
0x4c: {  	v3 =	vor.u32 v3, v4  }
0x4d: {  	v4 =	vperm.xlane v3, v0;
	_ =	sdelay $0x1  }
0x4e: {  	v4 =	vadd.s32 v1, v4;
	_ =	sdelay $0x4  }
0x4f: {  	[tilespmem:s13], [sflag:$0x2] =	stream.indirect_vreg.gather [hbm4b:s1+s4], $0x80, v4, vm0, $0xb8;
	[tilespmem:$0x18080] =	vst v63  }
0x50: {  	s3 =	simm.s32 $0x8880;
	v3 =	vperm.xlane v3, v2  }
0x51: {  	[tilespmem:s3], [sflag:$0x2] =	stream.indirect_vreg.gather [hbm4b:s5+s4], $0x80, v4, vm0, $0xb8;
	[tilespmem:$0x18080] =	vst v63  }
0x52: {  	v3 =	vadd.s32 v1, v3;
	s3 =	simm.s32 $0x9080  }
0x53: {  	[tilespmem:s3], [sflag:$0x2] =	stream.indirect_vreg.gather [hbm4b:s6+s4], $0x80, v4, vm0, $0xb8;
	[tilespmem:$0x18080] =	vst v63  }
0x54: {  	s3 =	simm.s32 $0x9880  }
0x55: {  	[tilespmem:s3], [sflag:$0x2] =	stream.indirect_vreg.gather [hbm4b:s7+s4], $0x80, v4, vm0, $0xb8;
	[tilespmem:$0x18080] =	vst v63  }
0x56: {  	s3 =	simm.s32 $0xA080  }
0x57: {  	[tilespmem:s3], [sflag:$0x2] =	stream.indirect_vreg.gather [hbm4b:s1+s4], $0x80, v3, vm0, $0xb8;
	[tilespmem:$0x18080] =	vst v63  }
0x58: {  	s3 =	simm.s32 $0xA880  }
0x59: {  	[tilespmem:s3], [sflag:$0x2] =	stream.indirect_vreg.gather [hbm4b:s5+s4], $0x80, v3, vm0, $0xb8;
	[tilespmem:$0x18080] =	vst v63  }
0x5a: {  	s3 =	simm.s32 $0xB080  }
0x5b: {  	[tilespmem:s3], [sflag:$0x2] =	stream.indirect_vreg.gather [hbm4b:s6+s4], $0x80, v3, vm0, $0xb8;
	[tilespmem:$0x18080] =	vst v63  }
0x5c: {  	s3 =	simm.s32 $0xB880  }
0x5d: {  	[tilespmem:s3], [sflag:$0x2] =	stream.indirect_vreg.gather [hbm4b:s7+s4], $0x80, v3, vm0, $0xb8;
	[tilespmem:$0x18080] =	vst v63  }
0x5e: {  	v3 =	vld [tilespmem:$0x30];
	_ =	sdelay $0x4  }
0x5f: {  	v51 =	vshll.u32 v3, $0x3  }
0x60: {  	v3 =	vand.u32 $0x7, v3;
	v4 =	vand.u32 $0xFFFFFFC0, v51  }
0x61: {  	v3 =	vor.u32 v3, v4  }
0x62: {  	v4 =	vperm.xlane v3, v0;
	_ =	sdelay $0x1  }
0x63: {  	v4 =	vadd.s32 v1, v4;
	_ =	sdelay $0x3  }
0x64: {  	s3 =	simm.s32 $0xC080  }
0x65: {  	[tilespmem:s3], [sflag:$0x2] =	stream.indirect_vreg.gather [hbm4b:s1+s4], $0x80, v4, vm0, $0xb8;
	[tilespmem:$0x18080] =	vst v63  }
0x66: {  	v3 =	vperm.xlane v3, v2;
	s3 =	simm.s32 $0xC880  }
0x67: {  	[tilespmem:s3], [sflag:$0x2] =	stream.indirect_vreg.gather [hbm4b:s5+s4], $0x80, v4, vm0, $0xb8;
	[tilespmem:$0x18080] =	vst v63  }
0x68: {  	v3 =	vadd.s32 v1, v3;
	s3 =	simm.s32 $0xD080  }
0x69: {  	[tilespmem:s3], [sflag:$0x2] =	stream.indirect_vreg.gather [hbm4b:s6+s4], $0x80, v4, vm0, $0xb8;
	[tilespmem:$0x18080] =	vst v63  }
0x6a: {  	s3 =	simm.s32 $0xD880  }
0x6b: {  	[tilespmem:s3], [sflag:$0x2] =	stream.indirect_vreg.gather [hbm4b:s7+s4], $0x80, v4, vm0, $0xb8;
	[tilespmem:$0x18080] =	vst v63  }
0x6c: {  	s3 =	simm.s32 $0xE080  }
0x6d: {  	[tilespmem:s3], [sflag:$0x2] =	stream.indirect_vreg.gather [hbm4b:s1+s4], $0x80, v3, vm0, $0xb8;
	[tilespmem:$0x18080] =	vst v63  }
0x6e: {  	s3 =	simm.s32 $0xE880  }
0x6f: {  	[tilespmem:s3], [sflag:$0x2] =	stream.indirect_vreg.gather [hbm4b:s5+s4], $0x80, v3, vm0, $0xb8;
	[tilespmem:$0x18080] =	vst v63  }
0x70: {  	s3 =	simm.s32 $0xF080  }
0x71: {  	[tilespmem:s3], [sflag:$0x2] =	stream.indirect_vreg.gather [hbm4b:s6+s4], $0x80, v3, vm0, $0xb8;
	[tilespmem:$0x18080] =	vst v63  }
0x72: {  	s3 =	simm.s32 $0xF880  }
0x73: {  	[tilespmem:s3], [sflag:$0x2] =	stream.indirect_vreg.gather [hbm4b:s7+s4], $0x80, v3, vm0, $0xb8;
	[tilespmem:$0x18080] =	vst v63  }
0x74: {  	v3 =	vld [tilespmem:$0x40];
	_ =	sdelay $0x4  }
0x75: {  	v52 =	vshll.u32 v3, $0x3  }
0x76: {  	v3 =	vand.u32 $0x7, v3;
	v4 =	vand.u32 $0xFFFFFFC0, v52  }
0x77: {  	v3 =	vor.u32 v3, v4  }
0x78: {  	v4 =	vperm.xlane v3, v0;
	_ =	sdelay $0x1  }
0x79: {  	v4 =	vadd.s32 v1, v4;
	_ =	sdelay $0x3  }
0x7a: {  	s3 =	simm.s32 $0x10080  }
0x7b: {  	[tilespmem:s3], [sflag:$0x3] =	stream.indirect_vreg.gather [hbm4b:s1+s4], $0x80, v4, vm0, $0xb8;
	[tilespmem:$0x18080] =	vst v63  }
0x7c: {  	v3 =	vperm.xlane v3, v2  }
0x7d: {  	[tilespmem:s31], [sflag:$0x3] =	stream.indirect_vreg.gather [hbm4b:s5+s4], $0x80, v4, vm0, $0xb8;
	[tilespmem:$0x18080] =	vst v63  }
0x7e: {  	v3 =	vadd.s32 v1, v3;
	s3 =	simm.s32 $0x11080  }
0x7f: {  	[tilespmem:s3], [sflag:$0x3] =	stream.indirect_vreg.gather [hbm4b:s6+s4], $0x80, v4, vm0, $0xb8;
	[tilespmem:$0x18080] =	vst v63  }
0x80: {  	_ = 	snop  }
0x81: {  	[tilespmem:s15], [sflag:$0x3] =	stream.indirect_vreg.gather [hbm4b:s7+s4], $0x80, v4, vm0, $0xb8;
	[tilespmem:$0x18080] =	vst v63  }
0x82: {  	_ = 	snop  }
0x83: {  	[tilespmem:s16], [sflag:$0x3] =	stream.indirect_vreg.gather [hbm4b:s1+s4], $0x80, v3, vm0, $0xb8;
	[tilespmem:$0x18080] =	vst v63  }
0x84: {  	_ = 	snop  }
0x85: {  	[tilespmem:s17], [sflag:$0x3] =	stream.indirect_vreg.gather [hbm4b:s5+s4], $0x80, v3, vm0, $0xb8;
	[tilespmem:$0x18080] =	vst v63  }
0x86: {  	_ = 	snop  }
0x87: {  	[tilespmem:s18], [sflag:$0x3] =	stream.indirect_vreg.gather [hbm4b:s6+s4], $0x80, v3, vm0, $0xb8;
	[tilespmem:$0x18080] =	vst v63  }
0x88: {  	_ = 	snop  }
0x89: {  	[tilespmem:s19], [sflag:$0x3] =	stream.indirect_vreg.gather [hbm4b:s7+s4], $0x80, v3, vm0, $0xb8;
	[tilespmem:$0x18080] =	vst v63  }
0x8a: {  	v3 =	vld [tilespmem:$0x50];
	_ =	sdelay $0x4  }
0x8b: {  	v53 =	vshll.u32 v3, $0x3  }
0x8c: {  	v3 =	vand.u32 $0x7, v3;
	v4 =	vand.u32 $0xFFFFFFC0, v53  }
0x8d: {  	v3 =	vor.u32 v3, v4  }
0x8e: {  	v4 =	vperm.xlane v3, v0;
	_ =	sdelay $0x1  }
0x8f: {  	v4 =	vadd.s32 v1, v4;
	_ =	sdelay $0x4  }
0x90: {  	[tilespmem:s20], [sflag:$0x3] =	stream.indirect_vreg.gather [hbm4b:s1+s4], $0x80, v4, vm0, $0xb8;
	[tilespmem:$0x18080] =	vst v63  }
0x91: {  	v3 =	vperm.xlane v3, v2  }
0x92: {  	[tilespmem:s21], [sflag:$0x3] =	stream.indirect_vreg.gather [hbm4b:s5+s4], $0x80, v4, vm0, $0xb8;
	[tilespmem:$0x18080] =	vst v63  }
0x93: {  	v3 =	vadd.s32 v1, v3  }
0x94: {  	[tilespmem:s22], [sflag:$0x3] =	stream.indirect_vreg.gather [hbm4b:s6+s4], $0x80, v4, vm0, $0xb8;
	[tilespmem:$0x18080] =	vst v63  }
0x95: {  	_ = 	snop  }
0x96: {  	[tilespmem:s23], [sflag:$0x3] =	stream.indirect_vreg.gather [hbm4b:s7+s4], $0x80, v4, vm0, $0xb8;
	[tilespmem:$0x18080] =	vst v63  }
0x97: {  	_ = 	snop  }
0x98: {  	[tilespmem:s24], [sflag:$0x3] =	stream.indirect_vreg.gather [hbm4b:s1+s4], $0x80, v3, vm0, $0xb8;
	[tilespmem:$0x18080] =	vst v63  }
0x99: {  	_ = 	snop  }
0x9a: {  	[tilespmem:s25], [sflag:$0x3] =	stream.indirect_vreg.gather [hbm4b:s5+s4], $0x80, v3, vm0, $0xb8;
	[tilespmem:$0x18080] =	vst v63  }
0x9b: {  	_ = 	snop  }
0x9c: {  	[tilespmem:s26], [sflag:$0x3] =	stream.indirect_vreg.gather [hbm4b:s6+s4], $0x80, v3, vm0, $0xb8;
	[tilespmem:$0x18080] =	vst v63  }
0x9d: {  	s3 =	simm.s32 $0x17880  }
0x9e: {  	[tilespmem:s3], [sflag:$0x3] =	stream.indirect_vreg.gather [hbm4b:s7+s4], $0x80, v3, vm0, $0xb8;
	[tilespmem:$0x18080] =	vst v63  }
0x9f: {  	_ =	swait.ge [sflag:s14], $0x8000  }
0xa0: {  	[sflag:s14] =	ssyncset.done $0x0  }
0xa1: {  	s0 =	rddreg [dreg:$0x7];
	[sflag:s14] =	ssyncadd.s32 $0xFFFF8000  }
0xa2: {  	[hbm4b:s0+s4] =	stream.linear.scatter [tilespmem:s30], [sflag:$0x4], $0x8000, $0x38;
	[tilespmem:$0x18080] =	vst v63  }
0xa3: {  	_ =	swait.ge [sflag:s12], $0x8000  }
0xa4: {  	[sflag:s12] =	ssyncset.done $0x0  }
0xa5: {  	[sflag:s12] =	ssyncadd.s32 $0xFFFF8000  }
0xa6: {  	v3 =	vld [tilespmem:$0x60];
	_ =	sdelay $0x4  }
0xa7: {  	v54 =	vshll.u32 v3, $0x3  }
0xa8: {  	v3 =	vand.u32 $0x7, v3;
	v4 =	vand.u32 $0xFFFFFFC0, v54  }
0xa9: {  	v3 =	vor.u32 v3, v4  }
0xaa: {  	v4 =	vperm.xlane v3, v0;
	_ =	sdelay $0x1  }
0xab: {  	v4 =	vadd.s32 v1, v4;
	_ =	sdelay $0x4  }
0xac: {  	[tilespmem:s30], [sflag:$0x1] =	stream.indirect_vreg.gather [hbm4b:s1+s4], $0x80, v4, vm0, $0xb8;
	[tilespmem:$0x18080] =	vst v63  }
0xad: {  	s28 =	simm.s32 $0x880;
	v3 =	vperm.xlane v3, v2  }
0xae: {  	[tilespmem:s28], [sflag:$0x1] =	stream.indirect_vreg.gather [hbm4b:s5+s4], $0x80, v4, vm0, $0xb8;
	[tilespmem:$0x18080] =	vst v63  }
0xaf: {  	s3 =	simm.s32 $0x1080;
	v3 =	vadd.s32 v1, v3  }
0xb0: {  	[tilespmem:s3], [sflag:$0x1] =	stream.indirect_vreg.gather [hbm4b:s6+s4], $0x80, v4, vm0, $0xb8;
	[tilespmem:$0x18080] =	vst v63  }
0xb1: {  	s28 =	simm.s32 $0x1880  }
0xb2: {  	[tilespmem:s28], [sflag:$0x1] =	stream.indirect_vreg.gather [hbm4b:s7+s4], $0x80, v4, vm0, $0xb8;
	[tilespmem:$0x18080] =	vst v63  }
0xb3: {  	s3 =	simm.s32 $0x2080  }
0xb4: {  	[tilespmem:s3], [sflag:$0x1] =	stream.indirect_vreg.gather [hbm4b:s1+s4], $0x80, v3, vm0, $0xb8;
	[tilespmem:$0x18080] =	vst v63  }
0xb5: {  	s28 =	simm.s32 $0x2880  }
0xb6: {  	[tilespmem:s28], [sflag:$0x1] =	stream.indirect_vreg.gather [hbm4b:s5+s4], $0x80, v3, vm0, $0xb8;
	[tilespmem:$0x18080] =	vst v63  }
0xb7: {  	s3 =	simm.s32 $0x3080  }
0xb8: {  	[tilespmem:s3], [sflag:$0x1] =	stream.indirect_vreg.gather [hbm4b:s6+s4], $0x80, v3, vm0, $0xb8;
	[tilespmem:$0x18080] =	vst v63  }
0xb9: {  	s28 =	simm.s32 $0x3880  }
0xba: {  	[tilespmem:s28], [sflag:$0x1] =	stream.indirect_vreg.gather [hbm4b:s7+s4], $0x80, v3, vm0, $0xb8;
	[tilespmem:$0x18080] =	vst v63  }
0xbb: {  	v3 =	vld [tilespmem:$0x70];
	_ =	sdelay $0x4  }
0xbc: {  	v55 =	vshll.u32 v3, $0x3  }
0xbd: {  	v3 =	vand.u32 $0x7, v3;
	v4 =	vand.u32 $0xFFFFFFC0, v55  }
0xbe: {  	v3 =	vor.u32 v3, v4  }
0xbf: {  	v4 =	vperm.xlane v3, v0;
	_ =	sdelay $0x1  }
0xc0: {  	v4 =	vadd.s32 v1, v4;
	_ =	sdelay $0x3  }
0xc1: {  	s3 =	simm.s32 $0x4080  }
0xc2: {  	[tilespmem:s3], [sflag:$0x1] =	stream.indirect_vreg.gather [hbm4b:s1+s4], $0x80, v4, vm0, $0xb8;
	[tilespmem:$0x18080] =	vst v63  }
0xc3: {  	s28 =	simm.s32 $0x4880;
	v3 =	vperm.xlane v3, v2  }
0xc4: {  	[tilespmem:s28], [sflag:$0x1] =	stream.indirect_vreg.gather [hbm4b:s5+s4], $0x80, v4, vm0, $0xb8;
	[tilespmem:$0x18080] =	vst v63  }
0xc5: {  	v3 =	vadd.s32 v1, v3;
	s3 =	simm.s32 $0x5080  }
0xc6: {  	[tilespmem:s3], [sflag:$0x1] =	stream.indirect_vreg.gather [hbm4b:s6+s4], $0x80, v4, vm0, $0xb8;
	[tilespmem:$0x18080] =	vst v63  }
0xc7: {  	s28 =	simm.s32 $0x5880  }
0xc8: {  	[tilespmem:s28], [sflag:$0x1] =	stream.indirect_vreg.gather [hbm4b:s7+s4], $0x80, v4, vm0, $0xb8;
	[tilespmem:$0x18080] =	vst v63  }
0xc9: {  	s3 =	simm.s32 $0x6080  }
0xca: {  	[tilespmem:s3], [sflag:$0x1] =	stream.indirect_vreg.gather [hbm4b:s1+s4], $0x80, v3, vm0, $0xb8;
	[tilespmem:$0x18080] =	vst v63  }
0xcb: {  	s28 =	simm.s32 $0x6880  }
0xcc: {  	[tilespmem:s28], [sflag:$0x1] =	stream.indirect_vreg.gather [hbm4b:s5+s4], $0x80, v3, vm0, $0xb8;
	[tilespmem:$0x18080] =	vst v63  }
0xcd: {  	s3 =	simm.s32 $0x7080  }
0xce: {  	[tilespmem:s3], [sflag:$0x1] =	stream.indirect_vreg.gather [hbm4b:s6+s4], $0x80, v3, vm0, $0xb8;
	[tilespmem:$0x18080] =	vst v63  }
0xcf: {  	s28 =	simm.s32 $0x7880  }
0xd0: {  	[tilespmem:s28], [sflag:$0x1] =	stream.indirect_vreg.gather [hbm4b:s7+s4], $0x80, v3, vm0, $0xb8;
	[tilespmem:$0x18080] =	vst v63  }
0xd1: {  	_ =	swait.ge [sflag:s29], $0x8000  }
0xd2: {  	[sflag:s29] =	ssyncset.done $0x0  }
0xd3: {  	s0 =	rddreg [dreg:$0x8];
	[sflag:s29] =	ssyncadd.s32 $0xFFFF8000  }
0xd4: {  	[hbm4b:s0+s4] =	stream.linear.scatter [tilespmem:s13], [sflag:$0x4], $0x8000, $0x38;
	[tilespmem:$0x18080] =	vst v63  }
0xd5: {  	_ =	swait.ge [sflag:s12], $0x8000  }
0xd6: {  	[sflag:s12] =	ssyncset.done $0x0  }
0xd7: {  	[sflag:s12] =	ssyncadd.s32 $0xFFFF8000  }
0xd8: {  	v3 =	vld [tilespmem:$0x0];
	_ =	sdelay $0x4  }
0xd9: {  	v56 =	vshll.u32 v3, $0x3  }
0xda: {  	v3 =	vand.u32 $0x7, v3;
	v4 =	vand.u32 $0xFFFFFFC0, v56  }
0xdb: {  	v3 =	vor.u32 v3, v4  }
0xdc: {  	v4 =	vperm.xlane v3, v0;
	_ =	sdelay $0x1  }
0xdd: {  	v4 =	vadd.s32 v1, v4;
	_ =	sdelay $0x4  }
0xde: {  	[tilespmem:s13], [sflag:$0x2] =	stream.indirect_vreg.gather [hbm4b:s2+s4], $0x80, v4, vm0, $0xb8;
	[tilespmem:$0x18080] =	vst v63  }
0xdf: {  	s28 =	simm.s32 $0x8880;
	v3 =	vperm.xlane v3, v2  }
0xe0: {  	[tilespmem:s28], [sflag:$0x2] =	stream.indirect_vreg.gather [hbm4b:s8+s4], $0x80, v4, vm0, $0xb8;
	[tilespmem:$0x18080] =	vst v63  }
0xe1: {  	s3 =	simm.s32 $0x9080;
	v3 =	vadd.s32 v1, v3  }
0xe2: {  	[tilespmem:s3], [sflag:$0x2] =	stream.indirect_vreg.gather [hbm4b:s9+s4], $0x80, v4, vm0, $0xb8;
	[tilespmem:$0x18080] =	vst v63  }
0xe3: {  	s28 =	simm.s32 $0x9880  }
0xe4: {  	[tilespmem:s28], [sflag:$0x2] =	stream.indirect_vreg.gather [hbm4b:s10+s4], $0x80, v4, vm0, $0xb8;
	[tilespmem:$0x18080] =	vst v63  }
0xe5: {  	s3 =	simm.s32 $0xA080  }
0xe6: {  	[tilespmem:s3], [sflag:$0x2] =	stream.indirect_vreg.gather [hbm4b:s2+s4], $0x80, v3, vm0, $0xb8;
	[tilespmem:$0x18080] =	vst v63  }
0xe7: {  	s28 =	simm.s32 $0xA880  }
0xe8: {  	[tilespmem:s28], [sflag:$0x2] =	stream.indirect_vreg.gather [hbm4b:s8+s4], $0x80, v3, vm0, $0xb8;
	[tilespmem:$0x18080] =	vst v63  }
0xe9: {  	s3 =	simm.s32 $0xB080  }
0xea: {  	[tilespmem:s3], [sflag:$0x2] =	stream.indirect_vreg.gather [hbm4b:s9+s4], $0x80, v3, vm0, $0xb8;
	[tilespmem:$0x18080] =	vst v63  }
0xeb: {  	s28 =	simm.s32 $0xB880  }
0xec: {  	[tilespmem:s28], [sflag:$0x2] =	stream.indirect_vreg.gather [hbm4b:s10+s4], $0x80, v3, vm0, $0xb8;
	[tilespmem:$0x18080] =	vst v63  }
0xed: {  	v3 =	vld [tilespmem:$0x10];
	_ =	sdelay $0x4  }
0xee: {  	v57 =	vshll.u32 v3, $0x3  }
0xef: {  	v3 =	vand.u32 $0x7, v3;
	v4 =	vand.u32 $0xFFFFFFC0, v57  }
0xf0: {  	v3 =	vor.u32 v3, v4  }
0xf1: {  	v4 =	vperm.xlane v3, v0;
	_ =	sdelay $0x1  }
0xf2: {  	v4 =	vadd.s32 v1, v4;
	_ =	sdelay $0x3  }
0xf3: {  	s3 =	simm.s32 $0xC080  }
0xf4: {  	[tilespmem:s3], [sflag:$0x2] =	stream.indirect_vreg.gather [hbm4b:s2+s4], $0x80, v4, vm0, $0xb8;
	[tilespmem:$0x18080] =	vst v63  }
0xf5: {  	s28 =	simm.s32 $0xC880;
	v3 =	vperm.xlane v3, v2  }
0xf6: {  	[tilespmem:s28], [sflag:$0x2] =	stream.indirect_vreg.gather [hbm4b:s8+s4], $0x80, v4, vm0, $0xb8;
	[tilespmem:$0x18080] =	vst v63  }
0xf7: {  	v3 =	vadd.s32 v1, v3;
	s3 =	simm.s32 $0xD080  }
0xf8: {  	[tilespmem:s3], [sflag:$0x2] =	stream.indirect_vreg.gather [hbm4b:s9+s4], $0x80, v4, vm0, $0xb8;
	[tilespmem:$0x18080] =	vst v63  }
0xf9: {  	s28 =	simm.s32 $0xD880  }
0xfa: {  	[tilespmem:s28], [sflag:$0x2] =	stream.indirect_vreg.gather [hbm4b:s10+s4], $0x80, v4, vm0, $0xb8;
	[tilespmem:$0x18080] =	vst v63  }
0xfb: {  	s3 =	simm.s32 $0xE080  }
0xfc: {  	[tilespmem:s3], [sflag:$0x2] =	stream.indirect_vreg.gather [hbm4b:s2+s4], $0x80, v3, vm0, $0xb8;
	[tilespmem:$0x18080] =	vst v63  }
0xfd: {  	s28 =	simm.s32 $0xE880  }
0xfe: {  	[tilespmem:s28], [sflag:$0x2] =	stream.indirect_vreg.gather [hbm4b:s8+s4], $0x80, v3, vm0, $0xb8;
	[tilespmem:$0x18080] =	vst v63  }
0xff: {  	s3 =	simm.s32 $0xF080  }
0x100: {  	[tilespmem:s3], [sflag:$0x2] =	stream.indirect_vreg.gather [hbm4b:s9+s4], $0x80, v3, vm0, $0xb8;
	[tilespmem:$0x18080] =	vst v63  }
0x101: {  	s0 =	simm.s32 $0x3;
	s28 =	simm.s32 $0xF880  }
0x102: {  	[tilespmem:s28], [sflag:$0x2] =	stream.indirect_vreg.gather [hbm4b:s10+s4], $0x80, v3, vm0, $0xb8;
	[tilespmem:$0x18080] =	vst v63  }
0x103: {  	_ =	swait.ge [sflag:s0], $0x8000  }
0x104: {  	[sflag:s0] =	ssyncset.done $0x0  }
0x105: {  	s28 =	simm.s32 $0x10080;
	s3 =	rddreg [dreg:$0x9];
	[sflag:s0] =	ssyncadd.s32 $0xFFFF8000  }
0x106: {  	[hbm4b:s3+s4] =	stream.linear.scatter [tilespmem:s28], [sflag:$0x4], $0x8000, $0x38;
	[tilespmem:$0x18080] =	vst v63  }
0x107: {  	_ =	swait.ge [sflag:s12], $0x8000  }
0x108: {  	[sflag:s12] =	ssyncset.done $0x0  }
0x109: {  	[sflag:s12] =	ssyncadd.s32 $0xFFFF8000  }
0x10a: {  	v3 =	vld [tilespmem:$0x20];
	_ =	sdelay $0x4  }
0x10b: {  	v58 =	vshll.u32 v3, $0x3  }
0x10c: {  	v3 =	vand.u32 $0x7, v3;
	v4 =	vand.u32 $0xFFFFFFC0, v58  }
0x10d: {  	v3 =	vor.u32 v3, v4  }
0x10e: {  	v4 =	vperm.xlane v3, v0;
	_ =	sdelay $0x1  }
0x10f: {  	v4 =	vadd.s32 v1, v4;
	_ =	sdelay $0x4  }
0x110: {  	[tilespmem:s28], [sflag:$0x3] =	stream.indirect_vreg.gather [hbm4b:s2+s4], $0x80, v4, vm0, $0xb8;
	[tilespmem:$0x18080] =	vst v63  }
0x111: {  	v3 =	vperm.xlane v3, v2  }
0x112: {  	[tilespmem:s31], [sflag:$0x3] =	stream.indirect_vreg.gather [hbm4b:s8+s4], $0x80, v4, vm0, $0xb8;
	[tilespmem:$0x18080] =	vst v63  }
0x113: {  	s3 =	simm.s32 $0x11080;
	v3 =	vadd.s32 v1, v3  }
0x114: {  	[tilespmem:s3], [sflag:$0x3] =	stream.indirect_vreg.gather [hbm4b:s9+s4], $0x80, v4, vm0, $0xb8;
	[tilespmem:$0x18080] =	vst v63  }
0x115: {  	_ = 	snop  }
0x116: {  	[tilespmem:s15], [sflag:$0x3] =	stream.indirect_vreg.gather [hbm4b:s10+s4], $0x80, v4, vm0, $0xb8;
	[tilespmem:$0x18080] =	vst v63  }
0x117: {  	_ = 	snop  }
0x118: {  	[tilespmem:s16], [sflag:$0x3] =	stream.indirect_vreg.gather [hbm4b:s2+s4], $0x80, v3, vm0, $0xb8;
	[tilespmem:$0x18080] =	vst v63  }
0x119: {  	_ = 	snop  }
0x11a: {  	[tilespmem:s17], [sflag:$0x3] =	stream.indirect_vreg.gather [hbm4b:s8+s4], $0x80, v3, vm0, $0xb8;
	[tilespmem:$0x18080] =	vst v63  }
0x11b: {  	_ = 	snop  }
0x11c: {  	[tilespmem:s18], [sflag:$0x3] =	stream.indirect_vreg.gather [hbm4b:s9+s4], $0x80, v3, vm0, $0xb8;
	[tilespmem:$0x18080] =	vst v63  }
0x11d: {  	_ = 	snop  }
0x11e: {  	[tilespmem:s19], [sflag:$0x3] =	stream.indirect_vreg.gather [hbm4b:s10+s4], $0x80, v3, vm0, $0xb8;
	[tilespmem:$0x18080] =	vst v63  }
0x11f: {  	v3 =	vld [tilespmem:$0x30];
	_ =	sdelay $0x4  }
0x120: {  	v59 =	vshll.u32 v3, $0x3  }
0x121: {  	v3 =	vand.u32 $0x7, v3;
	v4 =	vand.u32 $0xFFFFFFC0, v59  }
0x122: {  	v3 =	vor.u32 v3, v4  }
0x123: {  	v4 =	vperm.xlane v3, v0;
	_ =	sdelay $0x1  }
0x124: {  	v4 =	vadd.s32 v1, v4;
	_ =	sdelay $0x4  }
0x125: {  	[tilespmem:s20], [sflag:$0x3] =	stream.indirect_vreg.gather [hbm4b:s2+s4], $0x80, v4, vm0, $0xb8;
	[tilespmem:$0x18080] =	vst v63  }
0x126: {  	v3 =	vperm.xlane v3, v2  }
0x127: {  	[tilespmem:s21], [sflag:$0x3] =	stream.indirect_vreg.gather [hbm4b:s8+s4], $0x80, v4, vm0, $0xb8;
	[tilespmem:$0x18080] =	vst v63  }
0x128: {  	v3 =	vadd.s32 v1, v3  }
0x129: {  	[tilespmem:s22], [sflag:$0x3] =	stream.indirect_vreg.gather [hbm4b:s9+s4], $0x80, v4, vm0, $0xb8;
	[tilespmem:$0x18080] =	vst v63  }
0x12a: {  	_ = 	snop  }
0x12b: {  	[tilespmem:s23], [sflag:$0x3] =	stream.indirect_vreg.gather [hbm4b:s10+s4], $0x80, v4, vm0, $0xb8;
	[tilespmem:$0x18080] =	vst v63  }
0x12c: {  	_ = 	snop  }
0x12d: {  	[tilespmem:s24], [sflag:$0x3] =	stream.indirect_vreg.gather [hbm4b:s2+s4], $0x80, v3, vm0, $0xb8;
	[tilespmem:$0x18080] =	vst v63  }
0x12e: {  	_ = 	snop  }
0x12f: {  	[tilespmem:s25], [sflag:$0x3] =	stream.indirect_vreg.gather [hbm4b:s8+s4], $0x80, v3, vm0, $0xb8;
	[tilespmem:$0x18080] =	vst v63  }
0x130: {  	_ = 	snop  }
0x131: {  	[tilespmem:s26], [sflag:$0x3] =	stream.indirect_vreg.gather [hbm4b:s9+s4], $0x80, v3, vm0, $0xb8;
	[tilespmem:$0x18080] =	vst v63  }
0x132: {  	s3 =	simm.s32 $0x17880  }
0x133: {  	[tilespmem:s3], [sflag:$0x3] =	stream.indirect_vreg.gather [hbm4b:s10+s4], $0x80, v3, vm0, $0xb8;
	[tilespmem:$0x18080] =	vst v63  }
0x134: {  	_ =	swait.ge [sflag:s14], $0x8000  }
0x135: {  	[sflag:s14] =	ssyncset.done $0x0  }
0x136: {  	s3 =	rddreg [dreg:$0xa];
	[sflag:s14] =	ssyncadd.s32 $0xFFFF8000  }
0x137: {  	[hbm4b:s3+s4] =	stream.linear.scatter [tilespmem:s30], [sflag:$0x4], $0x8000, $0x38;
	[tilespmem:$0x18080] =	vst v63  }
0x138: {  	_ =	swait.ge [sflag:s12], $0x8000  }
0x139: {  	[sflag:s12] =	ssyncset.done $0x0  }
0x13a: {  	[sflag:s12] =	ssyncadd.s32 $0xFFFF8000  }
0x13b: {  	v3 =	vld [tilespmem:$0x40];
	_ =	sdelay $0x4  }
0x13c: {  	v60 =	vshll.u32 v3, $0x3  }
0x13d: {  	v3 =	vand.u32 $0x7, v3;
	v4 =	vand.u32 $0xFFFFFFC0, v60  }
0x13e: {  	v3 =	vor.u32 v3, v4  }
0x13f: {  	v4 =	vperm.xlane v3, v0;
	_ =	sdelay $0x1  }
0x140: {  	v4 =	vadd.s32 v1, v4;
	_ =	sdelay $0x4  }
0x141: {  	[tilespmem:s30], [sflag:$0x1] =	stream.indirect_vreg.gather [hbm4b:s2+s4], $0x80, v4, vm0, $0xb8;
	[tilespmem:$0x18080] =	vst v63  }
0x142: {  	s3 =	simm.s32 $0x880;
	v3 =	vperm.xlane v3, v2  }
0x143: {  	[tilespmem:s3], [sflag:$0x1] =	stream.indirect_vreg.gather [hbm4b:s8+s4], $0x80, v4, vm0, $0xb8;
	[tilespmem:$0x18080] =	vst v63  }
0x144: {  	v3 =	vadd.s32 v1, v3;
	s3 =	simm.s32 $0x1080  }
0x145: {  	[tilespmem:s3], [sflag:$0x1] =	stream.indirect_vreg.gather [hbm4b:s9+s4], $0x80, v4, vm0, $0xb8;
	[tilespmem:$0x18080] =	vst v63  }
0x146: {  	s3 =	simm.s32 $0x1880  }
0x147: {  	[tilespmem:s3], [sflag:$0x1] =	stream.indirect_vreg.gather [hbm4b:s10+s4], $0x80, v4, vm0, $0xb8;
	[tilespmem:$0x18080] =	vst v63  }
0x148: {  	s3 =	simm.s32 $0x2080  }
0x149: {  	[tilespmem:s3], [sflag:$0x1] =	stream.indirect_vreg.gather [hbm4b:s2+s4], $0x80, v3, vm0, $0xb8;
	[tilespmem:$0x18080] =	vst v63  }
0x14a: {  	s3 =	simm.s32 $0x2880  }
0x14b: {  	[tilespmem:s3], [sflag:$0x1] =	stream.indirect_vreg.gather [hbm4b:s8+s4], $0x80, v3, vm0, $0xb8;
	[tilespmem:$0x18080] =	vst v63  }
0x14c: {  	s3 =	simm.s32 $0x3080  }
0x14d: {  	[tilespmem:s3], [sflag:$0x1] =	stream.indirect_vreg.gather [hbm4b:s9+s4], $0x80, v3, vm0, $0xb8;
	[tilespmem:$0x18080] =	vst v63  }
0x14e: {  	s3 =	simm.s32 $0x3880  }
0x14f: {  	[tilespmem:s3], [sflag:$0x1] =	stream.indirect_vreg.gather [hbm4b:s10+s4], $0x80, v3, vm0, $0xb8;
	[tilespmem:$0x18080] =	vst v63  }
0x150: {  	v3 =	vld [tilespmem:$0x50];
	_ =	sdelay $0x4  }
0x151: {  	v61 =	vshll.u32 v3, $0x3  }
0x152: {  	v3 =	vand.u32 $0x7, v3;
	v4 =	vand.u32 $0xFFFFFFC0, v61  }
0x153: {  	v3 =	vor.u32 v3, v4  }
0x154: {  	v4 =	vperm.xlane v3, v0;
	_ =	sdelay $0x1  }
0x155: {  	v4 =	vadd.s32 v1, v4;
	_ =	sdelay $0x3  }
0x156: {  	s3 =	simm.s32 $0x4080  }
0x157: {  	[tilespmem:s3], [sflag:$0x1] =	stream.indirect_vreg.gather [hbm4b:s2+s4], $0x80, v4, vm0, $0xb8;
	[tilespmem:$0x18080] =	vst v63  }
0x158: {  	v3 =	vperm.xlane v3, v2;
	s3 =	simm.s32 $0x4880  }
0x159: {  	[tilespmem:s3], [sflag:$0x1] =	stream.indirect_vreg.gather [hbm4b:s8+s4], $0x80, v4, vm0, $0xb8;
	[tilespmem:$0x18080] =	vst v63  }
0x15a: {  	v3 =	vadd.s32 v1, v3;
	s3 =	simm.s32 $0x5080  }
0x15b: {  	[tilespmem:s3], [sflag:$0x1] =	stream.indirect_vreg.gather [hbm4b:s9+s4], $0x80, v4, vm0, $0xb8;
	[tilespmem:$0x18080] =	vst v63  }
0x15c: {  	s3 =	simm.s32 $0x5880  }
0x15d: {  	[tilespmem:s3], [sflag:$0x1] =	stream.indirect_vreg.gather [hbm4b:s10+s4], $0x80, v4, vm0, $0xb8;
	[tilespmem:$0x18080] =	vst v63  }
0x15e: {  	s3 =	simm.s32 $0x6080  }
0x15f: {  	[tilespmem:s3], [sflag:$0x1] =	stream.indirect_vreg.gather [hbm4b:s2+s4], $0x80, v3, vm0, $0xb8;
	[tilespmem:$0x18080] =	vst v63  }
0x160: {  	s3 =	simm.s32 $0x6880  }
0x161: {  	[tilespmem:s3], [sflag:$0x1] =	stream.indirect_vreg.gather [hbm4b:s8+s4], $0x80, v3, vm0, $0xb8;
	[tilespmem:$0x18080] =	vst v63  }
0x162: {  	s3 =	simm.s32 $0x7080  }
0x163: {  	[tilespmem:s3], [sflag:$0x1] =	stream.indirect_vreg.gather [hbm4b:s9+s4], $0x80, v3, vm0, $0xb8;
	[tilespmem:$0x18080] =	vst v63  }
0x164: {  	s3 =	simm.s32 $0x7880  }
0x165: {  	[tilespmem:s3], [sflag:$0x1] =	stream.indirect_vreg.gather [hbm4b:s10+s4], $0x80, v3, vm0, $0xb8;
	[tilespmem:$0x18080] =	vst v63  }
0x166: {  	_ =	swait.ge [sflag:s29], $0x8000  }
0x167: {  	[sflag:s29] =	ssyncset.done $0x0  }
0x168: {  	s3 =	rddreg [dreg:$0xb];
	[sflag:s29] =	ssyncadd.s32 $0xFFFF8000  }
0x169: {  	[hbm4b:s3+s4] =	stream.linear.scatter [tilespmem:s13], [sflag:$0x4], $0x8000, $0x38;
	[tilespmem:$0x18080] =	vst v63  }
0x16a: {  	_ =	swait.ge [sflag:s12], $0x8000  }
0x16b: {  	[sflag:s12] =	ssyncset.done $0x0  }
0x16c: {  	[sflag:s12] =	ssyncadd.s32 $0xFFFF8000  }
0x16d: {  	v3 =	vld [tilespmem:$0x60];
	_ =	sdelay $0x4  }
0x16e: {  	v62 =	vshll.u32 v3, $0x3  }
0x16f: {  	v3 =	vand.u32 $0x7, v3;
	v4 =	vand.u32 $0xFFFFFFC0, v62  }
0x170: {  	v3 =	vor.u32 v3, v4  }
0x171: {  	v4 =	vperm.xlane v3, v0;
	_ =	sdelay $0x1  }
0x172: {  	v4 =	vadd.s32 v1, v4;
	_ =	sdelay $0x4  }
0x173: {  	[tilespmem:s13], [sflag:$0x2] =	stream.indirect_vreg.gather [hbm4b:s2+s4], $0x80, v4, vm0, $0xb8;
	[tilespmem:$0x18080] =	vst v63  }
0x174: {  	s3 =	simm.s32 $0x8880;
	v3 =	vperm.xlane v3, v2  }
0x175: {  	[tilespmem:s3], [sflag:$0x2] =	stream.indirect_vreg.gather [hbm4b:s8+s4], $0x80, v4, vm0, $0xb8;
	[tilespmem:$0x18080] =	vst v63  }
0x176: {  	v3 =	vadd.s32 v1, v3;
	s3 =	simm.s32 $0x9080  }
0x177: {  	[tilespmem:s3], [sflag:$0x2] =	stream.indirect_vreg.gather [hbm4b:s9+s4], $0x80, v4, vm0, $0xb8;
	[tilespmem:$0x18080] =	vst v63  }
0x178: {  	s3 =	simm.s32 $0x9880  }
0x179: {  	[tilespmem:s3], [sflag:$0x2] =	stream.indirect_vreg.gather [hbm4b:s10+s4], $0x80, v4, vm0, $0xb8;
	[tilespmem:$0x18080] =	vst v63  }
0x17a: {  	s3 =	simm.s32 $0xA080  }
0x17b: {  	[tilespmem:s3], [sflag:$0x2] =	stream.indirect_vreg.gather [hbm4b:s2+s4], $0x80, v3, vm0, $0xb8;
	[tilespmem:$0x18080] =	vst v63  }
0x17c: {  	s3 =	simm.s32 $0xA880  }
0x17d: {  	[tilespmem:s3], [sflag:$0x2] =	stream.indirect_vreg.gather [hbm4b:s8+s4], $0x80, v3, vm0, $0xb8;
	[tilespmem:$0x18080] =	vst v63  }
0x17e: {  	s3 =	simm.s32 $0xB080  }
0x17f: {  	[tilespmem:s3], [sflag:$0x2] =	stream.indirect_vreg.gather [hbm4b:s9+s4], $0x80, v3, vm0, $0xb8;
	[tilespmem:$0x18080] =	vst v63  }
0x180: {  	s3 =	simm.s32 $0xB880  }
0x181: {  	[tilespmem:s3], [sflag:$0x2] =	stream.indirect_vreg.gather [hbm4b:s10+s4], $0x80, v3, vm0, $0xb8;
	[tilespmem:$0x18080] =	vst v63  }
0x182: {  	v3 =	vld [tilespmem:$0x70];
	_ =	sdelay $0x4  }
0x183: {  	v63 =	vshll.u32 v3, $0x3  }
0x184: {  	v3 =	vand.u32 $0x7, v3;
	v4 =	vand.u32 $0xFFFFFFC0, v63  }
0x185: {  	v3 =	vor.u32 v3, v4  }
0x186: {  	v4 =	vperm.xlane v3, v0;
	_ =	sdelay $0x1  }
0x187: {  	v4 =	vadd.s32 v1, v4;
	_ =	sdelay $0x3  }
0x188: {  	s3 =	simm.s32 $0xC080  }
0x189: {  	[tilespmem:s3], [sflag:$0x2] =	stream.indirect_vreg.gather [hbm4b:s2+s4], $0x80, v4, vm0, $0xb8;
	[tilespmem:$0x18080] =	vst v63  }
0x18a: {  	v3 =	vperm.xlane v3, v2;
	s3 =	simm.s32 $0xC880  }
0x18b: {  	[tilespmem:s3], [sflag:$0x2] =	stream.indirect_vreg.gather [hbm4b:s8+s4], $0x80, v4, vm0, $0xb8;
	[tilespmem:$0x18080] =	vst v63  }
0x18c: {  	v3 =	vadd.s32 v1, v3;
	s3 =	simm.s32 $0xD080  }
0x18d: {  	[tilespmem:s3], [sflag:$0x2] =	stream.indirect_vreg.gather [hbm4b:s9+s4], $0x80, v4, vm0, $0xb8;
	[tilespmem:$0x18080] =	vst v63  }
0x18e: {  	s3 =	simm.s32 $0xD880  }
0x18f: {  	[tilespmem:s3], [sflag:$0x2] =	stream.indirect_vreg.gather [hbm4b:s10+s4], $0x80, v4, vm0, $0xb8;
	[tilespmem:$0x18080] =	vst v63  }
0x190: {  	s3 =	simm.s32 $0xE080  }
0x191: {  	[tilespmem:s3], [sflag:$0x2] =	stream.indirect_vreg.gather [hbm4b:s2+s4], $0x80, v3, vm0, $0xb8;
	[tilespmem:$0x18080] =	vst v63  }
0x192: {  	s3 =	simm.s32 $0xE880  }
0x193: {  	[tilespmem:s3], [sflag:$0x2] =	stream.indirect_vreg.gather [hbm4b:s8+s4], $0x80, v3, vm0, $0xb8;
	[tilespmem:$0x18080] =	vst v63  }
0x194: {  	s3 =	simm.s32 $0xF080  }
0x195: {  	[tilespmem:s3], [sflag:$0x2] =	stream.indirect_vreg.gather [hbm4b:s9+s4], $0x80, v3, vm0, $0xb8;
	[tilespmem:$0x18080] =	vst v63  }
0x196: {  	s3 =	simm.s32 $0xF880  }
0x197: {  	[tilespmem:s3], [sflag:$0x2] =	stream.indirect_vreg.gather [hbm4b:s10+s4], $0x80, v3, vm0, $0xb8;
	[tilespmem:$0x18080] =	vst v63  }
0x198: {  	_ =	swait.ge [sflag:s0], $0x8000  }
0x199: {  	[sflag:s0] =	ssyncset.done $0x0  }
0x19a: {  	s28 =	simm.s32 $0x10080;
	s3 =	rddreg [dreg:$0xc];
	[sflag:s0] =	ssyncadd.s32 $0xFFFF8000  }
0x19b: {  	[hbm4b:s3+s4] =	stream.linear.scatter [tilespmem:s28], [sflag:$0x4], $0x8000, $0x38;
	[tilespmem:$0x18080] =	vst v63  }
0x19c: {  	_ =	swait.ge [sflag:s12], $0x8000  }
0x19d: {  	[sflag:s12] =	ssyncset.done $0x0  }
0x19e: {  	[sflag:s12] =	ssyncadd.s32 $0xFFFF8000  }
0x19f: {  	_ =	swait.ge [sflag:s14], $0x8000  }
0x1a0: {  	[sflag:s14] =	ssyncset.done $0x0  }
0x1a1: {  	s0 =	rddreg [dreg:$0xd];
	[sflag:s14] =	ssyncadd.s32 $0xFFFF8000  }
0x1a2: {  	[hbm4b:s0+s4] =	stream.linear.scatter [tilespmem:s30], [sflag:$0x4], $0x8000, $0x38;
	[tilespmem:$0x18080] =	vst v63  }
0x1a3: {  	_ =	swait.ge [sflag:s12], $0x8000  }
0x1a4: {  	[sflag:s12] =	ssyncset.done $0x0  }
0x1a5: {  	[sflag:s12] =	ssyncadd.s32 $0xFFFF8000  }
0x1a6: {  	_ =	swait.ge [sflag:s29], $0x8000  }
0x1a7: {  	p0 =	sne.s32 s11, $0x1;
	[sflag:s29] =	ssyncset.done $0x0  }
.Ltmp0:
0x1a8: {  	s28 =	rddreg [dreg:$0xe];
	[sflag:s29] =	ssyncadd.s32 $0xFFFF8000;
	(pc) =	sbr.rel @p0 .LBB2_1-.Ltmp0, $4  }
0x1a9: {  	[hbm4b:s28+s4] =	stream.linear.scatter [tilespmem:s13], [sflag:$0x4], $0x8000, $0x38;
	[tilespmem:$0x18080] =	vst v63  }
0x1aa: {  	_ =	swait.ge [sflag:s12], $0x8000  }
0x1ab: {  	[sflag:s12] =	ssyncset.done $0x0  }
0x1ac: {  	s11 =	sadd.s32 $0xFFFFFFFF, s11;
	[sflag:s12] =	ssyncadd.s32 $0xFFFF8000  }
0x1ad: {  	_ =	sfence.sel $0x180000  }
0x1ae: {  	[bflag:$0x0] =	sbarrier.arrive $0xFFFF  }
0x1af: {  	_ =	strace $0x90000047  }
0x1b0: {  	s0 =	stileid.u32;
	[bflag:$0x2] =	sbarrier.arrive $0xFFFF  }
0x1b1: {  	p0 =	sne.s32 s0, $0x0;
	s0 =	rddreg [dreg:$0x5]  }
0x1b2: {  	s0 =	sadd.s32 @!p0 $0x100000, s0  }
0x1b3: {  	[sflag:s0] =	ssyncadd.tile.s32 @!p0 $0x1;
	_ =	shalt  }
.Lfunc_end2:
_tile_overlayer_lowered:
.L_overlay_start_2:
0x1b4: {  	(tag) =	ssettag $0x2  }
0x1b5: {  	s0 =	rddreg [dreg:$0x0];
	s2 =	stileid.u32  }
0x1b6: {  	s1 =	rddreg [dreg:$0x1];
	p0 =	sne.s32 s2, $0x0  }
0x1b7: {  	s3 =	rddreg [dreg:$0x2];
	[bflag:$0x3] =	sbarrier.arrive $0xFFFF;
	s2 =	simm.s32 @!p0 $0x1C04  }
0x1b8: {  	[timem:s3], [sflag:s2] =	dma.local @!p0 [hbm:s0], s1  }
0x1b9: {  	s0 =	simm.s32 @!p0 $0x4  }
0x1ba: {  	_ =	swait.ge @!p0 [sflag:s0], s1  }
0x1bb: {  	s1 =	ssub.s32 @!p0 $0x0, s1;
	[sflag:s0] =	ssyncset.done @!p0 $0x0  }
0x1bc: {  	[sflag:s0] =	ssyncadd.s32 @!p0 s1  }
0x1bd: {  	[bflag:$0x3] =	sbarrier.arrive $0xFFFF  }
0x1be: {  	_ =	shalt  }

</sc_bundles>
